<compile_context>
chip_gen: v7x
topology: tpu7x:2x2x1
jax: 0.10.2.dev20260603
libtpu: 0.0.44.dev20260713+nightly
codegen_flags: <defaults>
</compile_context>

<pallas_src>
import math

import jax
import jax.numpy as jnp
from jax import lax
from jax.experimental import pallas as pl
from jax.experimental.pallas import tpu as pltpu
from jax.experimental.pallas import tpu_sc as plsc

VOCAB = 30522
D = 512
BATCH = 4
SEQ = 8192
B_TOTAL = BATCH * SEQ
NC, NS, LANES = 2, 16, 16
NW = NC * NS
B_PER_W = B_TOTAL // NW
W_PER_ROW = SEQ // B_PER_W
CHUNK = 32
NCHUNK = B_PER_W // CHUNK
NBUF = 4
SCALE = math.sqrt(float(D))


def _embed_body(table_hbm, idx_hbm, out_hbm, idx_v, big_buf,
                in_sem, out_sem, idx_sem):
    wid = lax.axis_index("s") * NC + lax.axis_index("c")
    base = wid * B_PER_W
    row = wid // W_PER_ROW
    col = (wid % W_PER_ROW) * B_PER_W

    head = -(-(CHUNK * (NBUF - 1)) // 128) * 128
    pltpu.sync_copy(idx_hbm.at[row, pl.ds(col, head)], idx_v.at[pl.ds(0, head)])
    rest_idx = pltpu.async_copy(
        idx_hbm.at[row, pl.ds(col + head, B_PER_W - head)],
        idx_v.at[pl.ds(head, B_PER_W - head)], idx_sem)

    def start_gather(c, slot):
        pltpu.async_copy(
            table_hbm.at[idx_v.at[pl.ds(c * CHUNK, CHUNK)]],
            big_buf.at[pl.ds(slot * CHUNK, CHUNK)], in_sem,
        )

    def wait_gather():
        pltpu.make_async_copy(
            table_hbm.at[idx_v.at[pl.ds(0, CHUNK)]],
            big_buf.at[pl.ds(0, CHUNK)], in_sem,
        ).wait()

    def start_out(c, slot):
        pltpu.async_copy(
            big_buf.at[pl.ds(slot * CHUNK, CHUNK)],
            out_hbm.at[pl.ds(base + c * CHUNK, CHUNK)], out_sem,
        )

    def wait_out():
        pltpu.make_async_copy(
            big_buf.at[pl.ds(0, CHUNK)],
            out_hbm.at[pl.ds(base, CHUNK)], out_sem,
        ).wait()

    def scale_chunk(slot):
        off = slot * CHUNK

        def scale_row(r, carry):
            del carry
            for j in range(D // LANES):
                sl = pl.ds(j * LANES, LANES)
                big_buf[off + r, sl] = big_buf[off + r, sl] * SCALE
            return 0

        lax.fori_loop(0, CHUNK, scale_row, 0)

    for k in range(NBUF - 1):
        start_gather(k, k)
    rest_idx.wait()

    @pl.loop(0, NCHUNK)
    def chunk_step(c):
        slot = lax.rem(c, NBUF)
        la = c + NBUF - 1

        @pl.when(jnp.logical_and(la < NCHUNK, c >= 1))
        def _():
            wait_out()

        @pl.when(la < NCHUNK)
        def _():
            start_gather(la, lax.rem(la, NBUF))

        wait_gather()
        scale_chunk(slot)
        start_out(c, slot)

    for _ in range(NBUF):
        wait_out()


@jax.jit
def _embed(x2d, table):
    mesh = plsc.VectorSubcoreMesh(core_axis_name="c", subcore_axis_name="s")
    out = pl.kernel(
        _embed_body,
        out_type=jax.ShapeDtypeStruct((B_TOTAL, D), jnp.float32),
        mesh=mesh,
        scratch_types=[
            pltpu.VMEM((B_PER_W,), jnp.int32),
            pltpu.VMEM((NBUF * CHUNK, D), jnp.float32),
            pltpu.SemaphoreType.DMA,
            pltpu.SemaphoreType.DMA,
            pltpu.SemaphoreType.DMA,
        ],
    )(table, x2d)
    return out


def kernel(x, table):
    return _embed(x.astype(jnp.int32), table).reshape(BATCH, SEQ, D)

# --- scband reference (transcript-rebuilt; emitter-appended) ---
"""Pipeline reference for scband-input-embedding-13391708029966 (READ-ONLY COPY).

The authoritative reference and input builder live on the scoring server;
editing this copy changes nothing except your own understanding.
"""

import jax, jax.numpy as jnp
import numpy as np

VOCAB_SIZE = 30522
D_MODEL = 512
BATCH = 4
SEQ_LEN = 8192

def setup_inputs(seed: int = 0) -> dict:
    key = jax.random.key(seed)
    k_idx, k_tab = jax.random.split(key)
    x = jax.random.randint(k_idx, (BATCH, SEQ_LEN), 0, VOCAB_SIZE, dtype=jnp.int64 if jax.config.jax_enable_x64 else jnp.int32)
    # nn.Embedding default init: N(0, 1)
    table = jax.random.normal(k_tab, (VOCAB_SIZE, D_MODEL), dtype=jnp.float32)
    return {"x": x, "table": table}

def reference(x, table):
    # embedding lookup (gather) followed by sqrt(d_model) scaling
    embed = jnp.take(table, x, axis=0)
    scale = jnp.sqrt(jnp.asarray(D_MODEL, dtype=jnp.float32))
    return embed * scale

if __name__ == "__main__":
    import jax
    _d = setup_inputs()
    print(jax.jit(kernel)(*tuple(_d.values())))

</pallas_src>

<mosaic_0001>
#map = affine_map<(d0, d1) -> (0, 0)>
module attributes {stable_mosaic.version = 14 : i64} {
  func.func @_embed_body(%arg0: i32, %arg1: i32, %arg2: memref<30522x512xf32, #tpu.memory_space<hbm>>, %arg3: memref<4x8192xi32, #tpu.memory_space<hbm>>, %arg4: memref<32768x512xf32, #tpu.memory_space<hbm>>, %arg5: memref<1024xi32, #tpu.memory_space<vmem>>, %arg6: memref<128x512xf32, #tpu.memory_space<vmem>>, %arg7: memref<!tpu.dma_semaphore, #tpu.memory_space<semaphore_mem>>, %arg8: memref<!tpu.dma_semaphore, #tpu.memory_space<semaphore_mem>>, %arg9: memref<!tpu.dma_semaphore, #tpu.memory_space<semaphore_mem>>) attributes {dimension_semantics = [#tpu.dimension_semantics<core_parallel>, #tpu.dimension_semantics<subcore_parallel>], iteration_bounds = array<i64: 2, 16>, scalar_prefetch = 0 : i64, scratch_operands = 5 : i64, tpu.core_type = #tpu.core_type<sc_vector_subcore>, window_params = [{transform_indices = #map}, {transform_indices = #map}, {transform_indices = #map}]} {
    %mul3A = arith.constant 2 : i32
    %mul3A_0 = arith.muli %arg1, %mul3A : i32
    %add3A = arith.addi %mul3A_0, %arg0 : i32
    %mul3A_1 = arith.constant 1024 : i32
    %mul3A_2 = arith.muli %add3A, %mul3A_1 : i32
    %jit3A = arith.constant 8 : i32
    %div3A = arith.divsi %add3A, %jit3A : i32
    %sign3A = arith.constant 0 : i32
    %sign3A_3 = arith.cmpi sgt, %add3A, %sign3A : i32
    %sign3A_4 = arith.extui %sign3A_3 : i1 to i32
    %sign3A_5 = arith.constant 0 : i32
    %sign3A_6 = arith.cmpi slt, %add3A, %sign3A_5 : i32
    %sign3A_7 = arith.extui %sign3A_6 : i1 to i32
    %sign3A_8 = arith.subi %sign3A_4, %sign3A_7 : i32
    %sign3A_9 = arith.constant 0 : i32
    %sign3A_10 = arith.cmpi sgt, %jit3A, %sign3A_9 : i32
    %sign3A_11 = arith.extui %sign3A_10 : i1 to i32
    %sign3A_12 = arith.constant 0 : i32
    %sign3A_13 = arith.cmpi slt, %jit3A, %sign3A_12 : i32
    %sign3A_14 = arith.extui %sign3A_13 : i1 to i32
    %sign3A_15 = arith.subi %sign3A_11, %sign3A_14 : i32
    %ne3A = arith.cmpi ne, %sign3A_8, %sign3A_15 : i32
    %rem3A = arith.remsi %add3A, %jit3A : i32
    %ne3A_16 = arith.constant 0 : i32
    %ne3A_17 = arith.cmpi ne, %rem3A, %ne3A_16 : i32
    %and3A = arith.andi %ne3A, %ne3A_17 : i1
    %sub3A = arith.constant 1 : i32
    %sub3A_18 = arith.subi %div3A, %sub3A : i32
    %select_n3A = arith.select %and3A, %sub3A_18, %div3A : i32
    %jit3A_19 = arith.constant 8 : i32
    %eq3A = arith.constant 0 : i32
    %eq3A_20 = arith.cmpi eq, %jit3A_19, %eq3A : i32
    %jit3A_21 = arith.constant 1 : i32
    %select_n3A_22 = arith.select %eq3A_20, %jit3A_21, %jit3A_19 : i32
    %rem3A_23 = arith.remsi %add3A, %select_n3A_22 : i32
    %ne3A_24 = arith.constant 0 : i32
    %ne3A_25 = arith.cmpi ne, %rem3A_23, %ne3A_24 : i32
    %lt3A = arith.constant 0 : i32
    %lt3A_26 = arith.cmpi slt, %rem3A_23, %lt3A : i32
    %lt3A_27 = arith.constant 0 : i32
    %lt3A_28 = arith.cmpi slt, %select_n3A_22, %lt3A_27 : i32
    %ne3A_29 = arith.xori %lt3A_26, %lt3A_28 : i1
    %and3A_30 = arith.andi %ne3A_29, %ne3A_25 : i1
    %add3A_31 = arith.addi %rem3A_23, %select_n3A_22 : i32
    %select_n3A_32 = arith.select %and3A_30, %add3A_31, %rem3A_23 : i32
    %mul3A_33 = arith.constant 1024 : i32
    %mul3A_34 = arith.muli %select_n3A_32, %mul3A_33 : i32
    "tpu.region"() ({
      %run_scoped3A = tpu.sem_alloc : memref<!tpu.dma_semaphore, #tpu.memory_space<semaphore_mem>>
      %dma_start3A_119 = arith.constant 0 : i32
      %dma_start3A_120 = tpu.memref_slice %arg5[%dma_start3A_119] : memref<1024xi32, #tpu.memory_space<vmem>> -> memref<128xi32, #tpu.memory_space<vmem>>
      %dma_start3A_121 = tpu.memref_slice %arg3[%select_n3A, %mul3A_34] : memref<4x8192xi32, #tpu.memory_space<hbm>> -> memref<1x128xi32, #tpu.memory_space<hbm>>
      %dma_start3A_122 = tpu.memref_squeeze %dma_start3A_121 : memref<1x128xi32, #tpu.memory_space<hbm>> -> memref<128xi32, #tpu.memory_space<hbm>>
      %dma_start3A_123 = arith.constant 0 : i32
      %dma_start3A_124 = tpu.memref_slice %arg5[%dma_start3A_123] : memref<1024xi32, #tpu.memory_space<vmem>> -> memref<128xi32, #tpu.memory_space<vmem>>
      %dma_start3A_125 = tpu.memref_slice %arg3[%select_n3A, %mul3A_34] : memref<4x8192xi32, #tpu.memory_space<hbm>> -> memref<1x128xi32, #tpu.memory_space<hbm>>
      %dma_start3A_126 = tpu.memref_squeeze %dma_start3A_125 : memref<1x128xi32, #tpu.memory_space<hbm>> -> memref<128xi32, #tpu.memory_space<hbm>>
      tpu.enqueue_dma source(%dma_start3A_126 : memref<128xi32, #tpu.memory_space<hbm>>) target(%dma_start3A_124 : memref<128xi32, #tpu.memory_space<vmem>>) target_semaphore(%run_scoped3A : memref<!tpu.dma_semaphore, #tpu.memory_space<semaphore_mem>>)
      %dma_wait3A_127 = arith.constant 0 : i32
      %dma_wait3A_128 = tpu.memref_slice %arg5[%dma_wait3A_127] : memref<1024xi32, #tpu.memory_space<vmem>> -> memref<128xi32, #tpu.memory_space<vmem>>
      %dma_wait3A_129 = tpu.memref_slice %arg3[%select_n3A, %mul3A_34] : memref<4x8192xi32, #tpu.memory_space<hbm>> -> memref<1x128xi32, #tpu.memory_space<hbm>>
      %dma_wait3A_130 = tpu.memref_squeeze %dma_wait3A_129 : memref<1x128xi32, #tpu.memory_space<hbm>> -> memref<128xi32, #tpu.memory_space<hbm>>
      %dma_wait3A_131 = arith.constant 0 : i32
      %dma_wait3A_132 = tpu.memref_slice %arg5[%dma_wait3A_131] : memref<1024xi32, #tpu.memory_space<vmem>> -> memref<128xi32, #tpu.memory_space<vmem>>
      %dma_wait3A_133 = tpu.memref_slice %arg3[%select_n3A, %mul3A_34] : memref<4x8192xi32, #tpu.memory_space<hbm>> -> memref<1x128xi32, #tpu.memory_space<hbm>>
      %dma_wait3A_134 = tpu.memref_squeeze %dma_wait3A_133 : memref<1x128xi32, #tpu.memory_space<hbm>> -> memref<128xi32, #tpu.memory_space<hbm>>
      tpu.wait_dma2 semaphore(%run_scoped3A : memref<!tpu.dma_semaphore, #tpu.memory_space<semaphore_mem>>) src(%dma_wait3A_134 : memref<128xi32, #tpu.memory_space<hbm>>) dst(%dma_wait3A_132 : memref<128xi32, #tpu.memory_space<vmem>>)
      tpu.yield
    }) : () -> ()
    %add3A_35 = arith.constant 128 : i32
    %add3A_36 = arith.addi %mul3A_34, %add3A_35 : i32
    %dma_start3A = arith.constant 128 : i32
    %dma_start3A_37 = tpu.memref_slice %arg5[%dma_start3A] : memref<1024xi32, #tpu.memory_space<vmem>> -> memref<896xi32, #tpu.memory_space<vmem>>
    %dma_start3A_38 = tpu.memref_slice %arg3[%select_n3A, %add3A_36] : memref<4x8192xi32, #tpu.memory_space<hbm>> -> memref<1x896xi32, #tpu.memory_space<hbm>>
    %dma_start3A_39 = tpu.memref_squeeze %dma_start3A_38 : memref<1x896xi32, #tpu.memory_space<hbm>> -> memref<896xi32, #tpu.memory_space<hbm>>
    %dma_start3A_40 = arith.constant 128 : i32
    %dma_start3A_41 = tpu.memref_slice %arg5[%dma_start3A_40] : memref<1024xi32, #tpu.memory_space<vmem>> -> memref<896xi32, #tpu.memory_space<vmem>>
    %dma_start3A_42 = tpu.memref_slice %arg3[%select_n3A, %add3A_36] : memref<4x8192xi32, #tpu.memory_space<hbm>> -> memref<1x896xi32, #tpu.memory_space<hbm>>
    %dma_start3A_43 = tpu.memref_squeeze %dma_start3A_42 : memref<1x896xi32, #tpu.memory_space<hbm>> -> memref<896xi32, #tpu.memory_space<hbm>>
    tpu.enqueue_dma source(%dma_start3A_43 : memref<896xi32, #tpu.memory_space<hbm>>) target(%dma_start3A_41 : memref<896xi32, #tpu.memory_space<vmem>>) target_semaphore(%arg9 : memref<!tpu.dma_semaphore, #tpu.memory_space<semaphore_mem>>)
    %dma_start3A_44 = arith.constant 0 : i32
    %dma_start3A_45 = arith.constant 0 : i32
    %dma_start3A_46 = tpu.memref_slice %arg6[%dma_start3A_44, %dma_start3A_45] : memref<128x512xf32, #tpu.memory_space<vmem>> -> memref<32x512xf32, #tpu.memory_space<vmem>>
    %dma_start3A_47 = arith.constant 0 : i32
    %dma_start3A_48 = tpu.memref_slice %arg5[%dma_start3A_47] : memref<1024xi32, #tpu.memory_space<vmem>> -> memref<32xi32, #tpu.memory_space<vmem>>
    %dma_start3A_49 = arith.constant 0 : i32
    %dma_start3A_50 = arith.constant 0 : i32
    %dma_start3A_51 = tpu.memref_slice %arg2[%dma_start3A_49, %dma_start3A_50] : memref<30522x512xf32, #tpu.memory_space<hbm>> -> memref<30522x512xf32, #tpu.memory_space<hbm>>
    tpu.enqueue_indirect_dma source(%dma_start3A_51 : memref<30522x512xf32, #tpu.memory_space<hbm>>) target(%dma_start3A_46 : memref<32x512xf32, #tpu.memory_space<vmem>>) offsets(%dma_start3A_48 : memref<32xi32, #tpu.memory_space<vmem>>) semaphore(%arg7 : memref<!tpu.dma_semaphore, #tpu.memory_space<semaphore_mem>>)
    %dma_start3A_52 = arith.constant 32 : i32
    %dma_start3A_53 = arith.constant 0 : i32
    %dma_start3A_54 = tpu.memref_slice %arg6[%dma_start3A_52, %dma_start3A_53] : memref<128x512xf32, #tpu.memory_space<vmem>> -> memref<32x512xf32, #tpu.memory_space<vmem>>
    %dma_start3A_55 = arith.constant 32 : i32
    %dma_start3A_56 = tpu.memref_slice %arg5[%dma_start3A_55] : memref<1024xi32, #tpu.memory_space<vmem>> -> memref<32xi32, #tpu.memory_space<vmem>>
    %dma_start3A_57 = arith.constant 0 : i32
    %dma_start3A_58 = arith.constant 0 : i32
    %dma_start3A_59 = tpu.memref_slice %arg2[%dma_start3A_57, %dma_start3A_58] : memref<30522x512xf32, #tpu.memory_space<hbm>> -> memref<30522x512xf32, #tpu.memory_space<hbm>>
    tpu.enqueue_indirect_dma source(%dma_start3A_59 : memref<30522x512xf32, #tpu.memory_space<hbm>>) target(%dma_start3A_54 : memref<32x512xf32, #tpu.memory_space<vmem>>) offsets(%dma_start3A_56 : memref<32xi32, #tpu.memory_space<vmem>>) semaphore(%arg7 : memref<!tpu.dma_semaphore, #tpu.memory_space<semaphore_mem>>)
    %dma_start3A_60 = arith.constant 64 : i32
    %dma_start3A_61 = arith.constant 0 : i32
    %dma_start3A_62 = tpu.memref_slice %arg6[%dma_start3A_60, %dma_start3A_61] : memref<128x512xf32, #tpu.memory_space<vmem>> -> memref<32x512xf32, #tpu.memory_space<vmem>>
    %dma_start3A_63 = arith.constant 64 : i32
    %dma_start3A_64 = tpu.memref_slice %arg5[%dma_start3A_63] : memref<1024xi32, #tpu.memory_space<vmem>> -> memref<32xi32, #tpu.memory_space<vmem>>
    %dma_start3A_65 = arith.constant 0 : i32
    %dma_start3A_66 = arith.constant 0 : i32
    %dma_start3A_67 = tpu.memref_slice %arg2[%dma_start3A_65, %dma_start3A_66] : memref<30522x512xf32, #tpu.memory_space<hbm>> -> memref<30522x512xf32, #tpu.memory_space<hbm>>
    tpu.enqueue_indirect_dma source(%dma_start3A_67 : memref<30522x512xf32, #tpu.memory_space<hbm>>) target(%dma_start3A_62 : memref<32x512xf32, #tpu.memory_space<vmem>>) offsets(%dma_start3A_64 : memref<32xi32, #tpu.memory_space<vmem>>) semaphore(%arg7 : memref<!tpu.dma_semaphore, #tpu.memory_space<semaphore_mem>>)
    %dma_wait3A = arith.constant 128 : i32
    %dma_wait3A_68 = tpu.memref_slice %arg5[%dma_wait3A] : memref<1024xi32, #tpu.memory_space<vmem>> -> memref<896xi32, #tpu.memory_space<vmem>>
    %dma_wait3A_69 = tpu.memref_slice %arg3[%select_n3A, %add3A_36] : memref<4x8192xi32, #tpu.memory_space<hbm>> -> memref<1x896xi32, #tpu.memory_space<hbm>>
    %dma_wait3A_70 = tpu.memref_squeeze %dma_wait3A_69 : memref<1x896xi32, #tpu.memory_space<hbm>> -> memref<896xi32, #tpu.memory_space<hbm>>
    %dma_wait3A_71 = arith.constant 128 : i32
    %dma_wait3A_72 = tpu.memref_slice %arg5[%dma_wait3A_71] : memref<1024xi32, #tpu.memory_space<vmem>> -> memref<896xi32, #tpu.memory_space<vmem>>
    %dma_wait3A_73 = tpu.memref_slice %arg3[%select_n3A, %add3A_36] : memref<4x8192xi32, #tpu.memory_space<hbm>> -> memref<1x896xi32, #tpu.memory_space<hbm>>
    %dma_wait3A_74 = tpu.memref_squeeze %dma_wait3A_73 : memref<1x896xi32, #tpu.memory_space<hbm>> -> memref<896xi32, #tpu.memory_space<hbm>>
    tpu.wait_dma2 semaphore(%arg9 : memref<!tpu.dma_semaphore, #tpu.memory_space<semaphore_mem>>) src(%dma_wait3A_74 : memref<896xi32, #tpu.memory_space<hbm>>) dst(%dma_wait3A_72 : memref<896xi32, #tpu.memory_space<vmem>>)
    %scan3A = arith.constant 0 : i32
    %scan3A_75 = arith.constant 32 : i32
    %scan3A_76 = arith.addi %scan3A, %scan3A_75 : i32
    %scan3A_77 = arith.constant 1 : i32
    scf.for %scan3A_119 = %scan3A to %scan3A_76 step %scan3A_77  : i32 {
      %mul3A_120 = arith.constant 1 : i32
      %mul3A_121 = arith.muli %scan3A_119, %mul3A_120 : i32
      %add3A_122 = arith.constant 0 : i32
      %add3A_123 = arith.addi %add3A_122, %mul3A_121 : i32
      %rem3A_124 = arith.constant 4 : i32
      %rem3A_125 = arith.remsi %add3A_123, %rem3A_124 : i32
      %add3A_126 = arith.constant 4 : i32
      %add3A_127 = arith.addi %add3A_123, %add3A_126 : i32
      %sub3A_128 = arith.constant 1 : i32
      %sub3A_129 = arith.subi %add3A_127, %sub3A_128 : i32
      %lt3A_130 = arith.constant 32 : i32
      %lt3A_131 = arith.cmpi slt, %sub3A_129, %lt3A_130 : i32
      %ge3A = arith.constant 1 : i32
      %ge3A_132 = arith.cmpi sge, %add3A_123, %ge3A : i32
      %and3A_133 = arith.andi %lt3A_131, %ge3A_132 : i1
      %convert_element_type3A = arith.extui %and3A_133 : i1 to i32
      %cond3A = arith.constant 0 : i32
      %cond3A_134 = arith.cmpi ne, %convert_element_type3A, %cond3A : i32
      scf.if %cond3A_134 {
        %dma_wait3A_170 = arith.constant 0 : i32
        %dma_wait3A_171 = arith.constant 0 : i32
        %dma_wait3A_172 = tpu.memref_slice %arg6[%dma_wait3A_170, %dma_wait3A_171] : memref<128x512xf32, #tpu.memory_space<vmem>> -> memref<32x512xf32, #tpu.memory_space<vmem>>
        %dma_wait3A_173 = arith.constant 0 : i32
        %dma_wait3A_174 = tpu.memref_slice %arg4[%mul3A_2, %dma_wait3A_173] : memref<32768x512xf32, #tpu.memory_space<hbm>> -> memref<32x512xf32, #tpu.memory_space<hbm>>
        %dma_wait3A_175 = arith.constant 0 : i32
        %dma_wait3A_176 = tpu.memref_slice %arg4[%mul3A_2, %dma_wait3A_175] : memref<32768x512xf32, #tpu.memory_space<hbm>> -> memref<32x512xf32, #tpu.memory_space<hbm>>
        %dma_wait3A_177 = arith.constant 0 : i32
        %dma_wait3A_178 = arith.constant 0 : i32
        %dma_wait3A_179 = tpu.memref_slice %arg6[%dma_wait3A_177, %dma_wait3A_178] : memref<128x512xf32, #tpu.memory_space<vmem>> -> memref<32x512xf32, #tpu.memory_space<vmem>>
        tpu.wait_dma2 semaphore(%arg8 : memref<!tpu.dma_semaphore, #tpu.memory_space<semaphore_mem>>) src(%dma_wait3A_179 : memref<32x512xf32, #tpu.memory_space<vmem>>) dst(%dma_wait3A_176 : memref<32x512xf32, #tpu.memory_space<hbm>>)
      } else {
      }
      %lt3A_135 = arith.constant 32 : i32
      %lt3A_136 = arith.cmpi slt, %sub3A_129, %lt3A_135 : i32
      %convert_element_type3A_137 = arith.extui %lt3A_136 : i1 to i32
      %cond3A_138 = arith.constant 0 : i32
      %cond3A_139 = arith.cmpi ne, %convert_element_type3A_137, %cond3A_138 : i32
      scf.if %cond3A_139 {
        %rem3A_170 = arith.constant 4 : i32
        %rem3A_171 = arith.remsi %sub3A_129, %rem3A_170 : i32
        %mul3A_172 = arith.constant 32 : i32
        %mul3A_173 = arith.muli %sub3A_129, %mul3A_172 : i32
        %mul3A_174 = arith.constant 32 : i32
        %mul3A_175 = arith.muli %rem3A_171, %mul3A_174 : i32
        %dma_start3A_176 = arith.constant 0 : i32
        %dma_start3A_177 = tpu.memref_slice %arg6[%mul3A_175, %dma_start3A_176] : memref<128x512xf32, #tpu.memory_space<vmem>> -> memref<32x512xf32, #tpu.memory_space<vmem>>
        %dma_start3A_178 = tpu.memref_slice %arg5[%mul3A_173] : memref<1024xi32, #tpu.memory_space<vmem>> -> memref<32xi32, #tpu.memory_space<vmem>>
        %dma_start3A_179 = arith.constant 0 : i32
        %dma_start3A_180 = arith.constant 0 : i32
        %dma_start3A_181 = tpu.memref_slice %arg2[%dma_start3A_179, %dma_start3A_180] : memref<30522x512xf32, #tpu.memory_space<hbm>> -> memref<30522x512xf32, #tpu.memory_space<hbm>>
        tpu.enqueue_indirect_dma source(%dma_start3A_181 : memref<30522x512xf32, #tpu.memory_space<hbm>>) target(%dma_start3A_177 : memref<32x512xf32, #tpu.memory_space<vmem>>) offsets(%dma_start3A_178 : memref<32xi32, #tpu.memory_space<vmem>>) semaphore(%arg7 : memref<!tpu.dma_semaphore, #tpu.memory_space<semaphore_mem>>)
      } else {
      }
      %dma_wait3A_140 = arith.constant 0 : i32
      %dma_wait3A_141 = arith.constant 0 : i32
      %dma_wait3A_142 = tpu.memref_slice %arg6[%dma_wait3A_140, %dma_wait3A_141] : memref<128x512xf32, #tpu.memory_space<vmem>> -> memref<32x512xf32, #tpu.memory_space<vmem>>
      %dma_wait3A_143 = arith.constant 0 : i32
      %dma_wait3A_144 = tpu.memref_slice %arg5[%dma_wait3A_143] : memref<1024xi32, #tpu.memory_space<vmem>> -> memref<32xi32, #tpu.memory_space<vmem>>
      %dma_wait3A_145 = arith.constant 0 : i32
      %dma_wait3A_146 = arith.constant 0 : i32
      %dma_wait3A_147 = tpu.memref_slice %arg2[%dma_wait3A_145, %dma_wait3A_146] : memref<30522x512xf32, #tpu.memory_space<hbm>> -> memref<30522x512xf32, #tpu.memory_space<hbm>>
      tpu.wait_indirect_dma semaphore(%arg7 : memref<!tpu.dma_semaphore, #tpu.memory_space<semaphore_mem>>) src(%dma_wait3A_147 : memref<30522x512xf32, #tpu.memory_space<hbm>>) dst(%dma_wait3A_142 : memref<32x512xf32, #tpu.memory_space<vmem>>)
      %mul3A_148 = arith.constant 32 : i32
      %mul3A_149 = arith.muli %rem3A_125, %mul3A_148 : i32
      %scan3A_150 = arith.constant 0 : i32
      %scan3A_151 = arith.constant 0 : i32
      %scan3A_152 = arith.constant 32 : i32
      %scan3A_153 = arith.addi %scan3A_151, %scan3A_152 : i32
      %scan3A_154 = arith.constant 1 : i32
      %scan3A_155 = scf.for %scan3A_170 = %scan3A_151 to %scan3A_153 step %scan3A_154 iter_args(%scan3A_171 = %scan3A_150) -> (i32)  : i32 {
        %add3A_172 = arith.addi %mul3A_149, %scan3A_170 : i32
        %get3A = arith.index_cast %add3A_172 : i32 to index
        %get3A_173 = arith.constant 0 : index
        %get3A_174 = tpu.vector_load %arg6[%get3A, %get3A_173] {strides = array<i32>} : memref<128x512xf32, #tpu.memory_space<vmem>>, vector<1x16xf32>,
        %get3A_175 = vector.shape_cast %get3A_174 : vector<1x16xf32> to vector<16xf32>
        %mul3A_176 = arith.constant 22.6274166 : f32
        %mul3A_177 = vector.broadcast %mul3A_176 : f32 to vector<16xf32>
        %mul3A_178 = arith.mulf %get3A_175, %mul3A_177 : vector<16xf32>
        %add3A_179 = arith.addi %mul3A_149, %scan3A_170 : i32
        %swap3A = arith.index_cast %add3A_179 : i32 to index
        %swap3A_180 = arith.constant 0 : index
        %swap3A_181 = tpu.vector_load %arg6[%swap3A, %swap3A_180] {strides = array<i32>} : memref<128x512xf32, #tpu.memory_space<vmem>>, vector<1x16xf32>,
        %swap3A_182 = vector.shape_cast %swap3A_181 : vector<1x16xf32> to vector<16xf32>
        %swap3A_183 = vector.shape_cast %mul3A_178 : vector<16xf32> to vector<1x16xf32>
        tpu.vector_store %arg6[%swap3A, %swap3A_180], %swap3A_183 {strides = array<i32>} : memref<128x512xf32, #tpu.memory_space<vmem>>, vector<1x16xf32>,
        %add3A_184 = arith.addi %mul3A_149, %scan3A_170 : i32
        %get3A_185 = arith.index_cast %add3A_184 : i32 to index
        %get3A_186 = arith.constant 16 : index
        %get3A_187 = tpu.vector_load %arg6[%get3A_185, %get3A_186] {strides = array<i32>} : memref<128x512xf32, #tpu.memory_space<vmem>>, vector<1x16xf32>,
        %get3A_188 = vector.shape_cast %get3A_187 : vector<1x16xf32> to vector<16xf32>
        %mul3A_189 = arith.constant 22.6274166 : f32
        %mul3A_190 = vector.broadcast %mul3A_189 : f32 to vector<16xf32>
        %mul3A_191 = arith.mulf %get3A_188, %mul3A_190 : vector<16xf32>
        %add3A_192 = arith.addi %mul3A_149, %scan3A_170 : i32
        %swap3A_193 = arith.index_cast %add3A_192 : i32 to index
        %swap3A_194 = arith.constant 16 : index
        %swap3A_195 = tpu.vector_load %arg6[%swap3A_193, %swap3A_194] {strides = array<i32>} : memref<128x512xf32, #tpu.memory_space<vmem>>, vector<1x16xf32>,
        %swap3A_196 = vector.shape_cast %swap3A_195 : vector<1x16xf32> to vector<16xf32>
        %swap3A_197 = vector.shape_cast %mul3A_191 : vector<16xf32> to vector<1x16xf32>
        tpu.vector_store %arg6[%swap3A_193, %swap3A_194], %swap3A_197 {strides = array<i32>} : memref<128x512xf32, #tpu.memory_space<vmem>>, vector<1x16xf32>,
        %add3A_198 = arith.addi %mul3A_149, %scan3A_170 : i32
        %get3A_199 = arith.index_cast %add3A_198 : i32 to index
        %get3A_200 = arith.constant 32 : index
        %get3A_201 = tpu.vector_load %arg6[%get3A_199, %get3A_200] {strides = array<i32>} : memref<128x512xf32, #tpu.memory_space<vmem>>, vector<1x16xf32>,
        %get3A_202 = vector.shape_cast %get3A_201 : vector<1x16xf32> to vector<16xf32>
        %mul3A_203 = arith.constant 22.6274166 : f32
        %mul3A_204 = vector.broadcast %mul3A_203 : f32 to vector<16xf32>
        %mul3A_205 = arith.mulf %get3A_202, %mul3A_204 : vector<16xf32>
        %add3A_206 = arith.addi %mul3A_149, %scan3A_170 : i32
        %swap3A_207 = arith.index_cast %add3A_206 : i32 to index
        %swap3A_208 = arith.constant 32 : index
        %swap3A_209 = tpu.vector_load %arg6[%swap3A_207, %swap3A_208] {strides = array<i32>} : memref<128x512xf32, #tpu.memory_space<vmem>>, vector<1x16xf32>,
        %swap3A_210 = vector.shape_cast %swap3A_209 : vector<1x16xf32> to vector<16xf32>
        %swap3A_211 = vector.shape_cast %mul3A_205 : vector<16xf32> to vector<1x16xf32>
        tpu.vector_store %arg6[%swap3A_207, %swap3A_208], %swap3A_211 {strides = array<i32>} : memref<128x512xf32, #tpu.memory_space<vmem>>, vector<1x16xf32>,
        %add3A_212 = arith.addi %mul3A_149, %scan3A_170 : i32
        %get3A_213 = arith.index_cast %add3A_212 : i32 to index
        %get3A_214 = arith.constant 48 : index
        %get3A_215 = tpu.vector_load %arg6[%get3A_213, %get3A_214] {strides = array<i32>} : memref<128x512xf32, #tpu.memory_space<vmem>>, vector<1x16xf32>,
        %get3A_216 = vector.shape_cast %get3A_215 : vector<1x16xf32> to vector<16xf32>
        %mul3A_217 = arith.constant 22.6274166 : f32
        %mul3A_218 = vector.broadcast %mul3A_217 : f32 to vector<16xf32>
        %mul3A_219 = arith.mulf %get3A_216, %mul3A_218 : vector<16xf32>
        %add3A_220 = arith.addi %mul3A_149, %scan3A_170 : i32
        %swap3A_221 = arith.index_cast %add3A_220 : i32 to index
        %swap3A_222 = arith.constant 48 : index
        %swap3A_223 = tpu.vector_load %arg6[%swap3A_221, %swap3A_222] {strides = array<i32>} : memref<128x512xf32, #tpu.memory_space<vmem>>, vector<1x16xf32>,
        %swap3A_224 = vector.shape_cast %swap3A_223 : vector<1x16xf32> to vector<16xf32>
        %swap3A_225 = vector.shape_cast %mul3A_219 : vector<16xf32> to vector<1x16xf32>
        tpu.vector_store %arg6[%swap3A_221, %swap3A_222], %swap3A_225 {strides = array<i32>} : memref<128x512xf32, #tpu.memory_space<vmem>>, vector<1x16xf32>,
        %add3A_226 = arith.addi %mul3A_149, %scan3A_170 : i32
        %get3A_227 = arith.index_cast %add3A_226 : i32 to index
        %get3A_228 = arith.constant 64 : index
        %get3A_229 = tpu.vector_load %arg6[%get3A_227, %get3A_228] {strides = array<i32>} : memref<128x512xf32, #tpu.memory_space<vmem>>, vector<1x16xf32>,
        %get3A_230 = vector.shape_cast %get3A_229 : vector<1x16xf32> to vector<16xf32>
        %mul3A_231 = arith.constant 22.6274166 : f32
        %mul3A_232 = vector.broadcast %mul3A_231 : f32 to vector<16xf32>
        %mul3A_233 = arith.mulf %get3A_230, %mul3A_232 : vector<16xf32>
        %add3A_234 = arith.addi %mul3A_149, %scan3A_170 : i32
        %swap3A_235 = arith.index_cast %add3A_234 : i32 to index
        %swap3A_236 = arith.constant 64 : index
        %swap3A_237 = tpu.vector_load %arg6[%swap3A_235, %swap3A_236] {strides = array<i32>} : memref<128x512xf32, #tpu.memory_space<vmem>>, vector<1x16xf32>,
        %swap3A_238 = vector.shape_cast %swap3A_237 : vector<1x16xf32> to vector<16xf32>
        %swap3A_239 = vector.shape_cast %mul3A_233 : vector<16xf32> to vector<1x16xf32>
        tpu.vector_store %arg6[%swap3A_235, %swap3A_236], %swap3A_239 {strides = array<i32>} : memref<128x512xf32, #tpu.memory_space<vmem>>, vector<1x16xf32>,
        %add3A_240 = arith.addi %mul3A_149, %scan3A_170 : i32
        %get3A_241 = arith.index_cast %add3A_240 : i32 to index
        %get3A_242 = arith.constant 80 : index
        %get3A_243 = tpu.vector_load %arg6[%get3A_241, %get3A_242] {strides = array<i32>} : memref<128x512xf32, #tpu.memory_space<vmem>>, vector<1x16xf32>,
        %get3A_244 = vector.shape_cast %get3A_243 : vector<1x16xf32> to vector<16xf32>
        %mul3A_245 = arith.constant 22.6274166 : f32
        %mul3A_246 = vector.broadcast %mul3A_245 : f32 to vector<16xf32>
        %mul3A_247 = arith.mulf %get3A_244, %mul3A_246 : vector<16xf32>
        %add3A_248 = arith.addi %mul3A_149, %scan3A_170 : i32
        %swap3A_249 = arith.index_cast %add3A_248 : i32 to index
        %swap3A_250 = arith.constant 80 : index
        %swap3A_251 = tpu.vector_load %arg6[%swap3A_249, %swap3A_250] {strides = array<i32>} : memref<128x512xf32, #tpu.memory_space<vmem>>, vector<1x16xf32>,
        %swap3A_252 = vector.shape_cast %swap3A_251 : vector<1x16xf32> to vector<16xf32>
        %swap3A_253 = vector.shape_cast %mul3A_247 : vector<16xf32> to vector<1x16xf32>
        tpu.vector_store %arg6[%swap3A_249, %swap3A_250], %swap3A_253 {strides = array<i32>} : memref<128x512xf32, #tpu.memory_space<vmem>>, vector<1x16xf32>,
        %add3A_254 = arith.addi %mul3A_149, %scan3A_170 : i32
        %get3A_255 = arith.index_cast %add3A_254 : i32 to index
        %get3A_256 = arith.constant 96 : index
        %get3A_257 = tpu.vector_load %arg6[%get3A_255, %get3A_256] {strides = array<i32>} : memref<128x512xf32, #tpu.memory_space<vmem>>, vector<1x16xf32>,
        %get3A_258 = vector.shape_cast %get3A_257 : vector<1x16xf32> to vector<16xf32>
        %mul3A_259 = arith.constant 22.6274166 : f32
        %mul3A_260 = vector.broadcast %mul3A_259 : f32 to vector<16xf32>
        %mul3A_261 = arith.mulf %get3A_258, %mul3A_260 : vector<16xf32>
        %add3A_262 = arith.addi %mul3A_149, %scan3A_170 : i32
        %swap3A_263 = arith.index_cast %add3A_262 : i32 to index
        %swap3A_264 = arith.constant 96 : index
        %swap3A_265 = tpu.vector_load %arg6[%swap3A_263, %swap3A_264] {strides = array<i32>} : memref<128x512xf32, #tpu.memory_space<vmem>>, vector<1x16xf32>,
        %swap3A_266 = vector.shape_cast %swap3A_265 : vector<1x16xf32> to vector<16xf32>
        %swap3A_267 = vector.shape_cast %mul3A_261 : vector<16xf32> to vector<1x16xf32>
        tpu.vector_store %arg6[%swap3A_263, %swap3A_264], %swap3A_267 {strides = array<i32>} : memref<128x512xf32, #tpu.memory_space<vmem>>, vector<1x16xf32>,
        %add3A_268 = arith.addi %mul3A_149, %scan3A_170 : i32
        %get3A_269 = arith.index_cast %add3A_268 : i32 to index
        %get3A_270 = arith.constant 112 : index
        %get3A_271 = tpu.vector_load %arg6[%get3A_269, %get3A_270] {strides = array<i32>} : memref<128x512xf32, #tpu.memory_space<vmem>>, vector<1x16xf32>,
        %get3A_272 = vector.shape_cast %get3A_271 : vector<1x16xf32> to vector<16xf32>
        %mul3A_273 = arith.constant 22.6274166 : f32
        %mul3A_274 = vector.broadcast %mul3A_273 : f32 to vector<16xf32>
        %mul3A_275 = arith.mulf %get3A_272, %mul3A_274 : vector<16xf32>
        %add3A_276 = arith.addi %mul3A_149, %scan3A_170 : i32
        %swap3A_277 = arith.index_cast %add3A_276 : i32 to index
        %swap3A_278 = arith.constant 112 : index
        %swap3A_279 = tpu.vector_load %arg6[%swap3A_277, %swap3A_278] {strides = array<i32>} : memref<128x512xf32, #tpu.memory_space<vmem>>, vector<1x16xf32>,
        %swap3A_280 = vector.shape_cast %swap3A_279 : vector<1x16xf32> to vector<16xf32>
        %swap3A_281 = vector.shape_cast %mul3A_275 : vector<16xf32> to vector<1x16xf32>
        tpu.vector_store %arg6[%swap3A_277, %swap3A_278], %swap3A_281 {strides = array<i32>} : memref<128x512xf32, #tpu.memory_space<vmem>>, vector<1x16xf32>,
        %add3A_282 = arith.addi %mul3A_149, %scan3A_170 : i32
        %get3A_283 = arith.index_cast %add3A_282 : i32 to index
        %get3A_284 = arith.constant 128 : index
        %get3A_285 = tpu.vector_load %arg6[%get3A_283, %get3A_284] {strides = array<i32>} : memref<128x512xf32, #tpu.memory_space<vmem>>, vector<1x16xf32>,
        %get3A_286 = vector.shape_cast %get3A_285 : vector<1x16xf32> to vector<16xf32>
        %mul3A_287 = arith.constant 22.6274166 : f32
        %mul3A_288 = vector.broadcast %mul3A_287 : f32 to vector<16xf32>
        %mul3A_289 = arith.mulf %get3A_286, %mul3A_288 : vector<16xf32>
        %add3A_290 = arith.addi %mul3A_149, %scan3A_170 : i32
        %swap3A_291 = arith.index_cast %add3A_290 : i32 to index
        %swap3A_292 = arith.constant 128 : index
        %swap3A_293 = tpu.vector_load %arg6[%swap3A_291, %swap3A_292] {strides = array<i32>} : memref<128x512xf32, #tpu.memory_space<vmem>>, vector<1x16xf32>,
        %swap3A_294 = vector.shape_cast %swap3A_293 : vector<1x16xf32> to vector<16xf32>
        %swap3A_295 = vector.shape_cast %mul3A_289 : vector<16xf32> to vector<1x16xf32>
        tpu.vector_store %arg6[%swap3A_291, %swap3A_292], %swap3A_295 {strides = array<i32>} : memref<128x512xf32, #tpu.memory_space<vmem>>, vector<1x16xf32>,
        %add3A_296 = arith.addi %mul3A_149, %scan3A_170 : i32
        %get3A_297 = arith.index_cast %add3A_296 : i32 to index
        %get3A_298 = arith.constant 144 : index
        %get3A_299 = tpu.vector_load %arg6[%get3A_297, %get3A_298] {strides = array<i32>} : memref<128x512xf32, #tpu.memory_space<vmem>>, vector<1x16xf32>,
        %get3A_300 = vector.shape_cast %get3A_299 : vector<1x16xf32> to vector<16xf32>
        %mul3A_301 = arith.constant 22.6274166 : f32
        %mul3A_302 = vector.broadcast %mul3A_301 : f32 to vector<16xf32>
        %mul3A_303 = arith.mulf %get3A_300, %mul3A_302 : vector<16xf32>
        %add3A_304 = arith.addi %mul3A_149, %scan3A_170 : i32
        %swap3A_305 = arith.index_cast %add3A_304 : i32 to index
        %swap3A_306 = arith.constant 144 : index
        %swap3A_307 = tpu.vector_load %arg6[%swap3A_305, %swap3A_306] {strides = array<i32>} : memref<128x512xf32, #tpu.memory_space<vmem>>, vector<1x16xf32>,
        %swap3A_308 = vector.shape_cast %swap3A_307 : vector<1x16xf32> to vector<16xf32>
        %swap3A_309 = vector.shape_cast %mul3A_303 : vector<16xf32> to vector<1x16xf32>
        tpu.vector_store %arg6[%swap3A_305, %swap3A_306], %swap3A_309 {strides = array<i32>} : memref<128x512xf32, #tpu.memory_space<vmem>>, vector<1x16xf32>,
        %add3A_310 = arith.addi %mul3A_149, %scan3A_170 : i32
        %get3A_311 = arith.index_cast %add3A_310 : i32 to index
        %get3A_312 = arith.constant 160 : index
        %get3A_313 = tpu.vector_load %arg6[%get3A_311, %get3A_312] {strides = array<i32>} : memref<128x512xf32, #tpu.memory_space<vmem>>, vector<1x16xf32>,
        %get3A_314 = vector.shape_cast %get3A_313 : vector<1x16xf32> to vector<16xf32>
        %mul3A_315 = arith.constant 22.6274166 : f32
        %mul3A_316 = vector.broadcast %mul3A_315 : f32 to vector<16xf32>
        %mul3A_317 = arith.mulf %get3A_314, %mul3A_316 : vector<16xf32>
        %add3A_318 = arith.addi %mul3A_149, %scan3A_170 : i32
        %swap3A_319 = arith.index_cast %add3A_318 : i32 to index
        %swap3A_320 = arith.constant 160 : index
        %swap3A_321 = tpu.vector_load %arg6[%swap3A_319, %swap3A_320] {strides = array<i32>} : memref<128x512xf32, #tpu.memory_space<vmem>>, vector<1x16xf32>,
        %swap3A_322 = vector.shape_cast %swap3A_321 : vector<1x16xf32> to vector<16xf32>
        %swap3A_323 = vector.shape_cast %mul3A_317 : vector<16xf32> to vector<1x16xf32>
        tpu.vector_store %arg6[%swap3A_319, %swap3A_320], %swap3A_323 {strides = array<i32>} : memref<128x512xf32, #tpu.memory_space<vmem>>, vector<1x16xf32>,
        %add3A_324 = arith.addi %mul3A_149, %scan3A_170 : i32
        %get3A_325 = arith.index_cast %add3A_324 : i32 to index
        %get3A_326 = arith.constant 176 : index
        %get3A_327 = tpu.vector_load %arg6[%get3A_325, %get3A_326] {strides = array<i32>} : memref<128x512xf32, #tpu.memory_space<vmem>>, vector<1x16xf32>,
        %get3A_328 = vector.shape_cast %get3A_327 : vector<1x16xf32> to vector<16xf32>
        %mul3A_329 = arith.constant 22.6274166 : f32
        %mul3A_330 = vector.broadcast %mul3A_329 : f32 to vector<16xf32>
        %mul3A_331 = arith.mulf %get3A_328, %mul3A_330 : vector<16xf32>
        %add3A_332 = arith.addi %mul3A_149, %scan3A_170 : i32
        %swap3A_333 = arith.index_cast %add3A_332 : i32 to index
        %swap3A_334 = arith.constant 176 : index
        %swap3A_335 = tpu.vector_load %arg6[%swap3A_333, %swap3A_334] {strides = array<i32>} : memref<128x512xf32, #tpu.memory_space<vmem>>, vector<1x16xf32>,
        %swap3A_336 = vector.shape_cast %swap3A_335 : vector<1x16xf32> to vector<16xf32>
        %swap3A_337 = vector.shape_cast %mul3A_331 : vector<16xf32> to vector<1x16xf32>
        tpu.vector_store %arg6[%swap3A_333, %swap3A_334], %swap3A_337 {strides = array<i32>} : memref<128x512xf32, #tpu.memory_space<vmem>>, vector<1x16xf32>,
        %add3A_338 = arith.addi %mul3A_149, %scan3A_170 : i32
        %get3A_339 = arith.index_cast %add3A_338 : i32 to index
        %get3A_340 = arith.constant 192 : index
        %get3A_341 = tpu.vector_load %arg6[%get3A_339, %get3A_340] {strides = array<i32>} : memref<128x512xf32, #tpu.memory_space<vmem>>, vector<1x16xf32>,
        %get3A_342 = vector.shape_cast %get3A_341 : vector<1x16xf32> to vector<16xf32>
        %mul3A_343 = arith.constant 22.6274166 : f32
        %mul3A_344 = vector.broadcast %mul3A_343 : f32 to vector<16xf32>
        %mul3A_345 = arith.mulf %get3A_342, %mul3A_344 : vector<16xf32>
        %add3A_346 = arith.addi %mul3A_149, %scan3A_170 : i32
        %swap3A_347 = arith.index_cast %add3A_346 : i32 to index
        %swap3A_348 = arith.constant 192 : index
        %swap3A_349 = tpu.vector_load %arg6[%swap3A_347, %swap3A_348] {strides = array<i32>} : memref<128x512xf32, #tpu.memory_space<vmem>>, vector<1x16xf32>,
        %swap3A_350 = vector.shape_cast %swap3A_349 : vector<1x16xf32> to vector<16xf32>
        %swap3A_351 = vector.shape_cast %mul3A_345 : vector<16xf32> to vector<1x16xf32>
        tpu.vector_store %arg6[%swap3A_347, %swap3A_348], %swap3A_351 {strides = array<i32>} : memref<128x512xf32, #tpu.memory_space<vmem>>, vector<1x16xf32>,
        %add3A_352 = arith.addi %mul3A_149, %scan3A_170 : i32
        %get3A_353 = arith.index_cast %add3A_352 : i32 to index
        %get3A_354 = arith.constant 208 : index
        %get3A_355 = tpu.vector_load %arg6[%get3A_353, %get3A_354] {strides = array<i32>} : memref<128x512xf32, #tpu.memory_space<vmem>>, vector<1x16xf32>,
        %get3A_356 = vector.shape_cast %get3A_355 : vector<1x16xf32> to vector<16xf32>
        %mul3A_357 = arith.constant 22.6274166 : f32
        %mul3A_358 = vector.broadcast %mul3A_357 : f32 to vector<16xf32>
        %mul3A_359 = arith.mulf %get3A_356, %mul3A_358 : vector<16xf32>
        %add3A_360 = arith.addi %mul3A_149, %scan3A_170 : i32
        %swap3A_361 = arith.index_cast %add3A_360 : i32 to index
        %swap3A_362 = arith.constant 208 : index
        %swap3A_363 = tpu.vector_load %arg6[%swap3A_361, %swap3A_362] {strides = array<i32>} : memref<128x512xf32, #tpu.memory_space<vmem>>, vector<1x16xf32>,
        %swap3A_364 = vector.shape_cast %swap3A_363 : vector<1x16xf32> to vector<16xf32>
        %swap3A_365 = vector.shape_cast %mul3A_359 : vector<16xf32> to vector<1x16xf32>
        tpu.vector_store %arg6[%swap3A_361, %swap3A_362], %swap3A_365 {strides = array<i32>} : memref<128x512xf32, #tpu.memory_space<vmem>>, vector<1x16xf32>,
        %add3A_366 = arith.addi %mul3A_149, %scan3A_170 : i32
        %get3A_367 = arith.index_cast %add3A_366 : i32 to index
        %get3A_368 = arith.constant 224 : index
        %get3A_369 = tpu.vector_load %arg6[%get3A_367, %get3A_368] {strides = array<i32>} : memref<128x512xf32, #tpu.memory_space<vmem>>, vector<1x16xf32>,
        %get3A_370 = vector.shape_cast %get3A_369 : vector<1x16xf32> to vector<16xf32>
        %mul3A_371 = arith.constant 22.6274166 : f32
        %mul3A_372 = vector.broadcast %mul3A_371 : f32 to vector<16xf32>
        %mul3A_373 = arith.mulf %get3A_370, %mul3A_372 : vector<16xf32>
        %add3A_374 = arith.addi %mul3A_149, %scan3A_170 : i32
        %swap3A_375 = arith.index_cast %add3A_374 : i32 to index
        %swap3A_376 = arith.constant 224 : index
        %swap3A_377 = tpu.vector_load %arg6[%swap3A_375, %swap3A_376] {strides = array<i32>} : memref<128x512xf32, #tpu.memory_space<vmem>>, vector<1x16xf32>,
        %swap3A_378 = vector.shape_cast %swap3A_377 : vector<1x16xf32> to vector<16xf32>
        %swap3A_379 = vector.shape_cast %mul3A_373 : vector<16xf32> to vector<1x16xf32>
        tpu.vector_store %arg6[%swap3A_375, %swap3A_376], %swap3A_379 {strides = array<i32>} : memref<128x512xf32, #tpu.memory_space<vmem>>, vector<1x16xf32>,
        %add3A_380 = arith.addi %mul3A_149, %scan3A_170 : i32
        %get3A_381 = arith.index_cast %add3A_380 : i32 to index
        %get3A_382 = arith.constant 240 : index
        %get3A_383 = tpu.vector_load %arg6[%get3A_381, %get3A_382] {strides = array<i32>} : memref<128x512xf32, #tpu.memory_space<vmem>>, vector<1x16xf32>,
        %get3A_384 = vector.shape_cast %get3A_383 : vector<1x16xf32> to vector<16xf32>
        %mul3A_385 = arith.constant 22.6274166 : f32
        %mul3A_386 = vector.broadcast %mul3A_385 : f32 to vector<16xf32>
        %mul3A_387 = arith.mulf %get3A_384, %mul3A_386 : vector<16xf32>
        %add3A_388 = arith.addi %mul3A_149, %scan3A_170 : i32
        %swap3A_389 = arith.index_cast %add3A_388 : i32 to index
        %swap3A_390 = arith.constant 240 : index
        %swap3A_391 = tpu.vector_load %arg6[%swap3A_389, %swap3A_390] {strides = array<i32>} : memref<128x512xf32, #tpu.memory_space<vmem>>, vector<1x16xf32>,
        %swap3A_392 = vector.shape_cast %swap3A_391 : vector<1x16xf32> to vector<16xf32>
        %swap3A_393 = vector.shape_cast %mul3A_387 : vector<16xf32> to vector<1x16xf32>
        tpu.vector_store %arg6[%swap3A_389, %swap3A_390], %swap3A_393 {strides = array<i32>} : memref<128x512xf32, #tpu.memory_space<vmem>>, vector<1x16xf32>,
        %add3A_394 = arith.addi %mul3A_149, %scan3A_170 : i32
        %get3A_395 = arith.index_cast %add3A_394 : i32 to index
        %get3A_396 = arith.constant 256 : index
        %get3A_397 = tpu.vector_load %arg6[%get3A_395, %get3A_396] {strides = array<i32>} : memref<128x512xf32, #tpu.memory_space<vmem>>, vector<1x16xf32>,
        %get3A_398 = vector.shape_cast %get3A_397 : vector<1x16xf32> to vector<16xf32>
        %mul3A_399 = arith.constant 22.6274166 : f32
        %mul3A_400 = vector.broadcast %mul3A_399 : f32 to vector<16xf32>
        %mul3A_401 = arith.mulf %get3A_398, %mul3A_400 : vector<16xf32>
        %add3A_402 = arith.addi %mul3A_149, %scan3A_170 : i32
        %swap3A_403 = arith.index_cast %add3A_402 : i32 to index
        %swap3A_404 = arith.constant 256 : index
        %swap3A_405 = tpu.vector_load %arg6[%swap3A_403, %swap3A_404] {strides = array<i32>} : memref<128x512xf32, #tpu.memory_space<vmem>>, vector<1x16xf32>,
        %swap3A_406 = vector.shape_cast %swap3A_405 : vector<1x16xf32> to vector<16xf32>
        %swap3A_407 = vector.shape_cast %mul3A_401 : vector<16xf32> to vector<1x16xf32>
        tpu.vector_store %arg6[%swap3A_403, %swap3A_404], %swap3A_407 {strides = array<i32>} : memref<128x512xf32, #tpu.memory_space<vmem>>, vector<1x16xf32>,
        %add3A_408 = arith.addi %mul3A_149, %scan3A_170 : i32
        %get3A_409 = arith.index_cast %add3A_408 : i32 to index
        %get3A_410 = arith.constant 272 : index
        %get3A_411 = tpu.vector_load %arg6[%get3A_409, %get3A_410] {strides = array<i32>} : memref<128x512xf32, #tpu.memory_space<vmem>>, vector<1x16xf32>,
        %get3A_412 = vector.shape_cast %get3A_411 : vector<1x16xf32> to vector<16xf32>
        %mul3A_413 = arith.constant 22.6274166 : f32
        %mul3A_414 = vector.broadcast %mul3A_413 : f32 to vector<16xf32>
        %mul3A_415 = arith.mulf %get3A_412, %mul3A_414 : vector<16xf32>
        %add3A_416 = arith.addi %mul3A_149, %scan3A_170 : i32
        %swap3A_417 = arith.index_cast %add3A_416 : i32 to index
        %swap3A_418 = arith.constant 272 : index
        %swap3A_419 = tpu.vector_load %arg6[%swap3A_417, %swap3A_418] {strides = array<i32>} : memref<128x512xf32, #tpu.memory_space<vmem>>, vector<1x16xf32>,
        %swap3A_420 = vector.shape_cast %swap3A_419 : vector<1x16xf32> to vector<16xf32>
        %swap3A_421 = vector.shape_cast %mul3A_415 : vector<16xf32> to vector<1x16xf32>
        tpu.vector_store %arg6[%swap3A_417, %swap3A_418], %swap3A_421 {strides = array<i32>} : memref<128x512xf32, #tpu.memory_space<vmem>>, vector<1x16xf32>,
        %add3A_422 = arith.addi %mul3A_149, %scan3A_170 : i32
        %get3A_423 = arith.index_cast %add3A_422 : i32 to index
        %get3A_424 = arith.constant 288 : index
        %get3A_425 = tpu.vector_load %arg6[%get3A_423, %get3A_424] {strides = array<i32>} : memref<128x512xf32, #tpu.memory_space<vmem>>, vector<1x16xf32>,
        %get3A_426 = vector.shape_cast %get3A_425 : vector<1x16xf32> to vector<16xf32>
        %mul3A_427 = arith.constant 22.6274166 : f32
        %mul3A_428 = vector.broadcast %mul3A_427 : f32 to vector<16xf32>
        %mul3A_429 = arith.mulf %get3A_426, %mul3A_428 : vector<16xf32>
        %add3A_430 = arith.addi %mul3A_149, %scan3A_170 : i32
        %swap3A_431 = arith.index_cast %add3A_430 : i32 to index
        %swap3A_432 = arith.constant 288 : index
        %swap3A_433 = tpu.vector_load %arg6[%swap3A_431, %swap3A_432] {strides = array<i32>} : memref<128x512xf32, #tpu.memory_space<vmem>>, vector<1x16xf32>,
        %swap3A_434 = vector.shape_cast %swap3A_433 : vector<1x16xf32> to vector<16xf32>
        %swap3A_435 = vector.shape_cast %mul3A_429 : vector<16xf32> to vector<1x16xf32>
        tpu.vector_store %arg6[%swap3A_431, %swap3A_432], %swap3A_435 {strides = array<i32>} : memref<128x512xf32, #tpu.memory_space<vmem>>, vector<1x16xf32>,
        %add3A_436 = arith.addi %mul3A_149, %scan3A_170 : i32
        %get3A_437 = arith.index_cast %add3A_436 : i32 to index
        %get3A_438 = arith.constant 304 : index
        %get3A_439 = tpu.vector_load %arg6[%get3A_437, %get3A_438] {strides = array<i32>} : memref<128x512xf32, #tpu.memory_space<vmem>>, vector<1x16xf32>,
        %get3A_440 = vector.shape_cast %get3A_439 : vector<1x16xf32> to vector<16xf32>
        %mul3A_441 = arith.constant 22.6274166 : f32
        %mul3A_442 = vector.broadcast %mul3A_441 : f32 to vector<16xf32>
        %mul3A_443 = arith.mulf %get3A_440, %mul3A_442 : vector<16xf32>
        %add3A_444 = arith.addi %mul3A_149, %scan3A_170 : i32
        %swap3A_445 = arith.index_cast %add3A_444 : i32 to index
        %swap3A_446 = arith.constant 304 : index
        %swap3A_447 = tpu.vector_load %arg6[%swap3A_445, %swap3A_446] {strides = array<i32>} : memref<128x512xf32, #tpu.memory_space<vmem>>, vector<1x16xf32>,
        %swap3A_448 = vector.shape_cast %swap3A_447 : vector<1x16xf32> to vector<16xf32>
        %swap3A_449 = vector.shape_cast %mul3A_443 : vector<16xf32> to vector<1x16xf32>
        tpu.vector_store %arg6[%swap3A_445, %swap3A_446], %swap3A_449 {strides = array<i32>} : memref<128x512xf32, #tpu.memory_space<vmem>>, vector<1x16xf32>,
        %add3A_450 = arith.addi %mul3A_149, %scan3A_170 : i32
        %get3A_451 = arith.index_cast %add3A_450 : i32 to index
        %get3A_452 = arith.constant 320 : index
        %get3A_453 = tpu.vector_load %arg6[%get3A_451, %get3A_452] {strides = array<i32>} : memref<128x512xf32, #tpu.memory_space<vmem>>, vector<1x16xf32>,
        %get3A_454 = vector.shape_cast %get3A_453 : vector<1x16xf32> to vector<16xf32>
        %mul3A_455 = arith.constant 22.6274166 : f32
        %mul3A_456 = vector.broadcast %mul3A_455 : f32 to vector<16xf32>
        %mul3A_457 = arith.mulf %get3A_454, %mul3A_456 : vector<16xf32>
        %add3A_458 = arith.addi %mul3A_149, %scan3A_170 : i32
        %swap3A_459 = arith.index_cast %add3A_458 : i32 to index
        %swap3A_460 = arith.constant 320 : index
        %swap3A_461 = tpu.vector_load %arg6[%swap3A_459, %swap3A_460] {strides = array<i32>} : memref<128x512xf32, #tpu.memory_space<vmem>>, vector<1x16xf32>,
        %swap3A_462 = vector.shape_cast %swap3A_461 : vector<1x16xf32> to vector<16xf32>
        %swap3A_463 = vector.shape_cast %mul3A_457 : vector<16xf32> to vector<1x16xf32>
        tpu.vector_store %arg6[%swap3A_459, %swap3A_460], %swap3A_463 {strides = array<i32>} : memref<128x512xf32, #tpu.memory_space<vmem>>, vector<1x16xf32>,
        %add3A_464 = arith.addi %mul3A_149, %scan3A_170 : i32
        %get3A_465 = arith.index_cast %add3A_464 : i32 to index
        %get3A_466 = arith.constant 336 : index
        %get3A_467 = tpu.vector_load %arg6[%get3A_465, %get3A_466] {strides = array<i32>} : memref<128x512xf32, #tpu.memory_space<vmem>>, vector<1x16xf32>,
        %get3A_468 = vector.shape_cast %get3A_467 : vector<1x16xf32> to vector<16xf32>
        %mul3A_469 = arith.constant 22.6274166 : f32
        %mul3A_470 = vector.broadcast %mul3A_469 : f32 to vector<16xf32>
        %mul3A_471 = arith.mulf %get3A_468, %mul3A_470 : vector<16xf32>
        %add3A_472 = arith.addi %mul3A_149, %scan3A_170 : i32
        %swap3A_473 = arith.index_cast %add3A_472 : i32 to index
        %swap3A_474 = arith.constant 336 : index
        %swap3A_475 = tpu.vector_load %arg6[%swap3A_473, %swap3A_474] {strides = array<i32>} : memref<128x512xf32, #tpu.memory_space<vmem>>, vector<1x16xf32>,
        %swap3A_476 = vector.shape_cast %swap3A_475 : vector<1x16xf32> to vector<16xf32>
        %swap3A_477 = vector.shape_cast %mul3A_471 : vector<16xf32> to vector<1x16xf32>
        tpu.vector_store %arg6[%swap3A_473, %swap3A_474], %swap3A_477 {strides = array<i32>} : memref<128x512xf32, #tpu.memory_space<vmem>>, vector<1x16xf32>,
        %add3A_478 = arith.addi %mul3A_149, %scan3A_170 : i32
        %get3A_479 = arith.index_cast %add3A_478 : i32 to index
        %get3A_480 = arith.constant 352 : index
        %get3A_481 = tpu.vector_load %arg6[%get3A_479, %get3A_480] {strides = array<i32>} : memref<128x512xf32, #tpu.memory_space<vmem>>, vector<1x16xf32>,
        %get3A_482 = vector.shape_cast %get3A_481 : vector<1x16xf32> to vector<16xf32>
        %mul3A_483 = arith.constant 22.6274166 : f32
        %mul3A_484 = vector.broadcast %mul3A_483 : f32 to vector<16xf32>
        %mul3A_485 = arith.mulf %get3A_482, %mul3A_484 : vector<16xf32>
        %add3A_486 = arith.addi %mul3A_149, %scan3A_170 : i32
        %swap3A_487 = arith.index_cast %add3A_486 : i32 to index
        %swap3A_488 = arith.constant 352 : index
        %swap3A_489 = tpu.vector_load %arg6[%swap3A_487, %swap3A_488] {strides = array<i32>} : memref<128x512xf32, #tpu.memory_space<vmem>>, vector<1x16xf32>,
        %swap3A_490 = vector.shape_cast %swap3A_489 : vector<1x16xf32> to vector<16xf32>
        %swap3A_491 = vector.shape_cast %mul3A_485 : vector<16xf32> to vector<1x16xf32>
        tpu.vector_store %arg6[%swap3A_487, %swap3A_488], %swap3A_491 {strides = array<i32>} : memref<128x512xf32, #tpu.memory_space<vmem>>, vector<1x16xf32>,
        %add3A_492 = arith.addi %mul3A_149, %scan3A_170 : i32
        %get3A_493 = arith.index_cast %add3A_492 : i32 to index
        %get3A_494 = arith.constant 368 : index
        %get3A_495 = tpu.vector_load %arg6[%get3A_493, %get3A_494] {strides = array<i32>} : memref<128x512xf32, #tpu.memory_space<vmem>>, vector<1x16xf32>,
        %get3A_496 = vector.shape_cast %get3A_495 : vector<1x16xf32> to vector<16xf32>
        %mul3A_497 = arith.constant 22.6274166 : f32
        %mul3A_498 = vector.broadcast %mul3A_497 : f32 to vector<16xf32>
        %mul3A_499 = arith.mulf %get3A_496, %mul3A_498 : vector<16xf32>
        %add3A_500 = arith.addi %mul3A_149, %scan3A_170 : i32
        %swap3A_501 = arith.index_cast %add3A_500 : i32 to index
        %swap3A_502 = arith.constant 368 : index
        %swap3A_503 = tpu.vector_load %arg6[%swap3A_501, %swap3A_502] {strides = array<i32>} : memref<128x512xf32, #tpu.memory_space<vmem>>, vector<1x16xf32>,
        %swap3A_504 = vector.shape_cast %swap3A_503 : vector<1x16xf32> to vector<16xf32>
        %swap3A_505 = vector.shape_cast %mul3A_499 : vector<16xf32> to vector<1x16xf32>
        tpu.vector_store %arg6[%swap3A_501, %swap3A_502], %swap3A_505 {strides = array<i32>} : memref<128x512xf32, #tpu.memory_space<vmem>>, vector<1x16xf32>,
        %add3A_506 = arith.addi %mul3A_149, %scan3A_170 : i32
        %get3A_507 = arith.index_cast %add3A_506 : i32 to index
        %get3A_508 = arith.constant 384 : index
        %get3A_509 = tpu.vector_load %arg6[%get3A_507, %get3A_508] {strides = array<i32>} : memref<128x512xf32, #tpu.memory_space<vmem>>, vector<1x16xf32>,
        %get3A_510 = vector.shape_cast %get3A_509 : vector<1x16xf32> to vector<16xf32>
        %mul3A_511 = arith.constant 22.6274166 : f32
        %mul3A_512 = vector.broadcast %mul3A_511 : f32 to vector<16xf32>
        %mul3A_513 = arith.mulf %get3A_510, %mul3A_512 : vector<16xf32>
        %add3A_514 = arith.addi %mul3A_149, %scan3A_170 : i32
        %swap3A_515 = arith.index_cast %add3A_514 : i32 to index
        %swap3A_516 = arith.constant 384 : index
        %swap3A_517 = tpu.vector_load %arg6[%swap3A_515, %swap3A_516] {strides = array<i32>} : memref<128x512xf32, #tpu.memory_space<vmem>>, vector<1x16xf32>,
        %swap3A_518 = vector.shape_cast %swap3A_517 : vector<1x16xf32> to vector<16xf32>
        %swap3A_519 = vector.shape_cast %mul3A_513 : vector<16xf32> to vector<1x16xf32>
        tpu.vector_store %arg6[%swap3A_515, %swap3A_516], %swap3A_519 {strides = array<i32>} : memref<128x512xf32, #tpu.memory_space<vmem>>, vector<1x16xf32>,
        %add3A_520 = arith.addi %mul3A_149, %scan3A_170 : i32
        %get3A_521 = arith.index_cast %add3A_520 : i32 to index
        %get3A_522 = arith.constant 400 : index
        %get3A_523 = tpu.vector_load %arg6[%get3A_521, %get3A_522] {strides = array<i32>} : memref<128x512xf32, #tpu.memory_space<vmem>>, vector<1x16xf32>,
        %get3A_524 = vector.shape_cast %get3A_523 : vector<1x16xf32> to vector<16xf32>
        %mul3A_525 = arith.constant 22.6274166 : f32
        %mul3A_526 = vector.broadcast %mul3A_525 : f32 to vector<16xf32>
        %mul3A_527 = arith.mulf %get3A_524, %mul3A_526 : vector<16xf32>
        %add3A_528 = arith.addi %mul3A_149, %scan3A_170 : i32
        %swap3A_529 = arith.index_cast %add3A_528 : i32 to index
        %swap3A_530 = arith.constant 400 : index
        %swap3A_531 = tpu.vector_load %arg6[%swap3A_529, %swap3A_530] {strides = array<i32>} : memref<128x512xf32, #tpu.memory_space<vmem>>, vector<1x16xf32>,
        %swap3A_532 = vector.shape_cast %swap3A_531 : vector<1x16xf32> to vector<16xf32>
        %swap3A_533 = vector.shape_cast %mul3A_527 : vector<16xf32> to vector<1x16xf32>
        tpu.vector_store %arg6[%swap3A_529, %swap3A_530], %swap3A_533 {strides = array<i32>} : memref<128x512xf32, #tpu.memory_space<vmem>>, vector<1x16xf32>,
        %add3A_534 = arith.addi %mul3A_149, %scan3A_170 : i32
        %get3A_535 = arith.index_cast %add3A_534 : i32 to index
        %get3A_536 = arith.constant 416 : index
        %get3A_537 = tpu.vector_load %arg6[%get3A_535, %get3A_536] {strides = array<i32>} : memref<128x512xf32, #tpu.memory_space<vmem>>, vector<1x16xf32>,
        %get3A_538 = vector.shape_cast %get3A_537 : vector<1x16xf32> to vector<16xf32>
        %mul3A_539 = arith.constant 22.6274166 : f32
        %mul3A_540 = vector.broadcast %mul3A_539 : f32 to vector<16xf32>
        %mul3A_541 = arith.mulf %get3A_538, %mul3A_540 : vector<16xf32>
        %add3A_542 = arith.addi %mul3A_149, %scan3A_170 : i32
        %swap3A_543 = arith.index_cast %add3A_542 : i32 to index
        %swap3A_544 = arith.constant 416 : index
        %swap3A_545 = tpu.vector_load %arg6[%swap3A_543, %swap3A_544] {strides = array<i32>} : memref<128x512xf32, #tpu.memory_space<vmem>>, vector<1x16xf32>,
        %swap3A_546 = vector.shape_cast %swap3A_545 : vector<1x16xf32> to vector<16xf32>
        %swap3A_547 = vector.shape_cast %mul3A_541 : vector<16xf32> to vector<1x16xf32>
        tpu.vector_store %arg6[%swap3A_543, %swap3A_544], %swap3A_547 {strides = array<i32>} : memref<128x512xf32, #tpu.memory_space<vmem>>, vector<1x16xf32>,
        %add3A_548 = arith.addi %mul3A_149, %scan3A_170 : i32
        %get3A_549 = arith.index_cast %add3A_548 : i32 to index
        %get3A_550 = arith.constant 432 : index
        %get3A_551 = tpu.vector_load %arg6[%get3A_549, %get3A_550] {strides = array<i32>} : memref<128x512xf32, #tpu.memory_space<vmem>>, vector<1x16xf32>,
        %get3A_552 = vector.shape_cast %get3A_551 : vector<1x16xf32> to vector<16xf32>
        %mul3A_553 = arith.constant 22.6274166 : f32
        %mul3A_554 = vector.broadcast %mul3A_553 : f32 to vector<16xf32>
        %mul3A_555 = arith.mulf %get3A_552, %mul3A_554 : vector<16xf32>
        %add3A_556 = arith.addi %mul3A_149, %scan3A_170 : i32
        %swap3A_557 = arith.index_cast %add3A_556 : i32 to index
        %swap3A_558 = arith.constant 432 : index
        %swap3A_559 = tpu.vector_load %arg6[%swap3A_557, %swap3A_558] {strides = array<i32>} : memref<128x512xf32, #tpu.memory_space<vmem>>, vector<1x16xf32>,
        %swap3A_560 = vector.shape_cast %swap3A_559 : vector<1x16xf32> to vector<16xf32>
        %swap3A_561 = vector.shape_cast %mul3A_555 : vector<16xf32> to vector<1x16xf32>
        tpu.vector_store %arg6[%swap3A_557, %swap3A_558], %swap3A_561 {strides = array<i32>} : memref<128x512xf32, #tpu.memory_space<vmem>>, vector<1x16xf32>,
        %add3A_562 = arith.addi %mul3A_149, %scan3A_170 : i32
        %get3A_563 = arith.index_cast %add3A_562 : i32 to index
        %get3A_564 = arith.constant 448 : index
        %get3A_565 = tpu.vector_load %arg6[%get3A_563, %get3A_564] {strides = array<i32>} : memref<128x512xf32, #tpu.memory_space<vmem>>, vector<1x16xf32>,
        %get3A_566 = vector.shape_cast %get3A_565 : vector<1x16xf32> to vector<16xf32>
        %mul3A_567 = arith.constant 22.6274166 : f32
        %mul3A_568 = vector.broadcast %mul3A_567 : f32 to vector<16xf32>
        %mul3A_569 = arith.mulf %get3A_566, %mul3A_568 : vector<16xf32>
        %add3A_570 = arith.addi %mul3A_149, %scan3A_170 : i32
        %swap3A_571 = arith.index_cast %add3A_570 : i32 to index
        %swap3A_572 = arith.constant 448 : index
        %swap3A_573 = tpu.vector_load %arg6[%swap3A_571, %swap3A_572] {strides = array<i32>} : memref<128x512xf32, #tpu.memory_space<vmem>>, vector<1x16xf32>,
        %swap3A_574 = vector.shape_cast %swap3A_573 : vector<1x16xf32> to vector<16xf32>
        %swap3A_575 = vector.shape_cast %mul3A_569 : vector<16xf32> to vector<1x16xf32>
        tpu.vector_store %arg6[%swap3A_571, %swap3A_572], %swap3A_575 {strides = array<i32>} : memref<128x512xf32, #tpu.memory_space<vmem>>, vector<1x16xf32>,
        %add3A_576 = arith.addi %mul3A_149, %scan3A_170 : i32
        %get3A_577 = arith.index_cast %add3A_576 : i32 to index
        %get3A_578 = arith.constant 464 : index
        %get3A_579 = tpu.vector_load %arg6[%get3A_577, %get3A_578] {strides = array<i32>} : memref<128x512xf32, #tpu.memory_space<vmem>>, vector<1x16xf32>,
        %get3A_580 = vector.shape_cast %get3A_579 : vector<1x16xf32> to vector<16xf32>
        %mul3A_581 = arith.constant 22.6274166 : f32
        %mul3A_582 = vector.broadcast %mul3A_581 : f32 to vector<16xf32>
        %mul3A_583 = arith.mulf %get3A_580, %mul3A_582 : vector<16xf32>
        %add3A_584 = arith.addi %mul3A_149, %scan3A_170 : i32
        %swap3A_585 = arith.index_cast %add3A_584 : i32 to index
        %swap3A_586 = arith.constant 464 : index
        %swap3A_587 = tpu.vector_load %arg6[%swap3A_585, %swap3A_586] {strides = array<i32>} : memref<128x512xf32, #tpu.memory_space<vmem>>, vector<1x16xf32>,
        %swap3A_588 = vector.shape_cast %swap3A_587 : vector<1x16xf32> to vector<16xf32>
        %swap3A_589 = vector.shape_cast %mul3A_583 : vector<16xf32> to vector<1x16xf32>
        tpu.vector_store %arg6[%swap3A_585, %swap3A_586], %swap3A_589 {strides = array<i32>} : memref<128x512xf32, #tpu.memory_space<vmem>>, vector<1x16xf32>,
        %add3A_590 = arith.addi %mul3A_149, %scan3A_170 : i32
        %get3A_591 = arith.index_cast %add3A_590 : i32 to index
        %get3A_592 = arith.constant 480 : index
        %get3A_593 = tpu.vector_load %arg6[%get3A_591, %get3A_592] {strides = array<i32>} : memref<128x512xf32, #tpu.memory_space<vmem>>, vector<1x16xf32>,
        %get3A_594 = vector.shape_cast %get3A_593 : vector<1x16xf32> to vector<16xf32>
        %mul3A_595 = arith.constant 22.6274166 : f32
        %mul3A_596 = vector.broadcast %mul3A_595 : f32 to vector<16xf32>
        %mul3A_597 = arith.mulf %get3A_594, %mul3A_596 : vector<16xf32>
        %add3A_598 = arith.addi %mul3A_149, %scan3A_170 : i32
        %swap3A_599 = arith.index_cast %add3A_598 : i32 to index
        %swap3A_600 = arith.constant 480 : index
        %swap3A_601 = tpu.vector_load %arg6[%swap3A_599, %swap3A_600] {strides = array<i32>} : memref<128x512xf32, #tpu.memory_space<vmem>>, vector<1x16xf32>,
        %swap3A_602 = vector.shape_cast %swap3A_601 : vector<1x16xf32> to vector<16xf32>
        %swap3A_603 = vector.shape_cast %mul3A_597 : vector<16xf32> to vector<1x16xf32>
        tpu.vector_store %arg6[%swap3A_599, %swap3A_600], %swap3A_603 {strides = array<i32>} : memref<128x512xf32, #tpu.memory_space<vmem>>, vector<1x16xf32>,
        %add3A_604 = arith.addi %mul3A_149, %scan3A_170 : i32
        %get3A_605 = arith.index_cast %add3A_604 : i32 to index
        %get3A_606 = arith.constant 496 : index
        %get3A_607 = tpu.vector_load %arg6[%get3A_605, %get3A_606] {strides = array<i32>} : memref<128x512xf32, #tpu.memory_space<vmem>>, vector<1x16xf32>,
        %get3A_608 = vector.shape_cast %get3A_607 : vector<1x16xf32> to vector<16xf32>
        %mul3A_609 = arith.constant 22.6274166 : f32
        %mul3A_610 = vector.broadcast %mul3A_609 : f32 to vector<16xf32>
        %mul3A_611 = arith.mulf %get3A_608, %mul3A_610 : vector<16xf32>
        %add3A_612 = arith.addi %mul3A_149, %scan3A_170 : i32
        %swap3A_613 = arith.index_cast %add3A_612 : i32 to index
        %swap3A_614 = arith.constant 496 : index
        %swap3A_615 = tpu.vector_load %arg6[%swap3A_613, %swap3A_614] {strides = array<i32>} : memref<128x512xf32, #tpu.memory_space<vmem>>, vector<1x16xf32>,
        %swap3A_616 = vector.shape_cast %swap3A_615 : vector<1x16xf32> to vector<16xf32>
        %swap3A_617 = vector.shape_cast %mul3A_611 : vector<16xf32> to vector<1x16xf32>
        tpu.vector_store %arg6[%swap3A_613, %swap3A_614], %swap3A_617 {strides = array<i32>} : memref<128x512xf32, #tpu.memory_space<vmem>>, vector<1x16xf32>,
        %scan3A_618 = arith.constant 0 : i32
        scf.yield %scan3A_618 : i32
      }
      %scan3A_156 = arith.constant 32 : i32
      %mul3A_157 = arith.constant 32 : i32
      %mul3A_158 = arith.muli %rem3A_125, %mul3A_157 : i32
      %mul3A_159 = arith.constant 32 : i32
      %mul3A_160 = arith.muli %add3A_123, %mul3A_159 : i32
      %add3A_161 = arith.addi %mul3A_2, %mul3A_160 : i32
      %dma_start3A_162 = arith.constant 0 : i32
      %dma_start3A_163 = tpu.memref_slice %arg6[%mul3A_158, %dma_start3A_162] : memref<128x512xf32, #tpu.memory_space<vmem>> -> memref<32x512xf32, #tpu.memory_space<vmem>>
      %dma_start3A_164 = arith.constant 0 : i32
      %dma_start3A_165 = tpu.memref_slice %arg4[%add3A_161, %dma_start3A_164] : memref<32768x512xf32, #tpu.memory_space<hbm>> -> memref<32x512xf32, #tpu.memory_space<hbm>>
      %dma_start3A_166 = arith.constant 0 : i32
      %dma_start3A_167 = tpu.memref_slice %arg4[%add3A_161, %dma_start3A_166] : memref<32768x512xf32, #tpu.memory_space<hbm>> -> memref<32x512xf32, #tpu.memory_space<hbm>>
      %dma_start3A_168 = arith.constant 0 : i32
      %dma_start3A_169 = tpu.memref_slice %arg6[%mul3A_158, %dma_start3A_168] : memref<128x512xf32, #tpu.memory_space<vmem>> -> memref<32x512xf32, #tpu.memory_space<vmem>>
      tpu.enqueue_dma source(%dma_start3A_169 : memref<32x512xf32, #tpu.memory_space<vmem>>) target(%dma_start3A_167 : memref<32x512xf32, #tpu.memory_space<hbm>>) target_semaphore(%arg8 : memref<!tpu.dma_semaphore, #tpu.memory_space<semaphore_mem>>)
    }
    %scan3A_78 = arith.constant 32 : i32
    %dma_wait3A_79 = arith.constant 0 : i32
    %dma_wait3A_80 = arith.constant 0 : i32
    %dma_wait3A_81 = tpu.memref_slice %arg6[%dma_wait3A_79, %dma_wait3A_80] : memref<128x512xf32, #tpu.memory_space<vmem>> -> memref<32x512xf32, #tpu.memory_space<vmem>>
    %dma_wait3A_82 = arith.constant 0 : i32
    %dma_wait3A_83 = tpu.memref_slice %arg4[%mul3A_2, %dma_wait3A_82] : memref<32768x512xf32, #tpu.memory_space<hbm>> -> memref<32x512xf32, #tpu.memory_space<hbm>>
    %dma_wait3A_84 = arith.constant 0 : i32
    %dma_wait3A_85 = tpu.memref_slice %arg4[%mul3A_2, %dma_wait3A_84] : memref<32768x512xf32, #tpu.memory_space<hbm>> -> memref<32x512xf32, #tpu.memory_space<hbm>>
    %dma_wait3A_86 = arith.constant 0 : i32
    %dma_wait3A_87 = arith.constant 0 : i32
    %dma_wait3A_88 = tpu.memref_slice %arg6[%dma_wait3A_86, %dma_wait3A_87] : memref<128x512xf32, #tpu.memory_space<vmem>> -> memref<32x512xf32, #tpu.memory_space<vmem>>
    tpu.wait_dma2 semaphore(%arg8 : memref<!tpu.dma_semaphore, #tpu.memory_space<semaphore_mem>>) src(%dma_wait3A_88 : memref<32x512xf32, #tpu.memory_space<vmem>>) dst(%dma_wait3A_85 : memref<32x512xf32, #tpu.memory_space<hbm>>)
    %dma_wait3A_89 = arith.constant 0 : i32
    %dma_wait3A_90 = arith.constant 0 : i32
    %dma_wait3A_91 = tpu.memref_slice %arg6[%dma_wait3A_89, %dma_wait3A_90] : memref<128x512xf32, #tpu.memory_space<vmem>> -> memref<32x512xf32, #tpu.memory_space<vmem>>
    %dma_wait3A_92 = arith.constant 0 : i32
    %dma_wait3A_93 = tpu.memref_slice %arg4[%mul3A_2, %dma_wait3A_92] : memref<32768x512xf32, #tpu.memory_space<hbm>> -> memref<32x512xf32, #tpu.memory_space<hbm>>
    %dma_wait3A_94 = arith.constant 0 : i32
    %dma_wait3A_95 = tpu.memref_slice %arg4[%mul3A_2, %dma_wait3A_94] : memref<32768x512xf32, #tpu.memory_space<hbm>> -> memref<32x512xf32, #tpu.memory_space<hbm>>
    %dma_wait3A_96 = arith.constant 0 : i32
    %dma_wait3A_97 = arith.constant 0 : i32
    %dma_wait3A_98 = tpu.memref_slice %arg6[%dma_wait3A_96, %dma_wait3A_97] : memref<128x512xf32, #tpu.memory_space<vmem>> -> memref<32x512xf32, #tpu.memory_space<vmem>>
    tpu.wait_dma2 semaphore(%arg8 : memref<!tpu.dma_semaphore, #tpu.memory_space<semaphore_mem>>) src(%dma_wait3A_98 : memref<32x512xf32, #tpu.memory_space<vmem>>) dst(%dma_wait3A_95 : memref<32x512xf32, #tpu.memory_space<hbm>>)
    %dma_wait3A_99 = arith.constant 0 : i32
    %dma_wait3A_100 = arith.constant 0 : i32
    %dma_wait3A_101 = tpu.memref_slice %arg6[%dma_wait3A_99, %dma_wait3A_100] : memref<128x512xf32, #tpu.memory_space<vmem>> -> memref<32x512xf32, #tpu.memory_space<vmem>>
    %dma_wait3A_102 = arith.constant 0 : i32
    %dma_wait3A_103 = tpu.memref_slice %arg4[%mul3A_2, %dma_wait3A_102] : memref<32768x512xf32, #tpu.memory_space<hbm>> -> memref<32x512xf32, #tpu.memory_space<hbm>>
    %dma_wait3A_104 = arith.constant 0 : i32
    %dma_wait3A_105 = tpu.memref_slice %arg4[%mul3A_2, %dma_wait3A_104] : memref<32768x512xf32, #tpu.memory_space<hbm>> -> memref<32x512xf32, #tpu.memory_space<hbm>>
    %dma_wait3A_106 = arith.constant 0 : i32
    %dma_wait3A_107 = arith.constant 0 : i32
    %dma_wait3A_108 = tpu.memref_slice %arg6[%dma_wait3A_106, %dma_wait3A_107] : memref<128x512xf32, #tpu.memory_space<vmem>> -> memref<32x512xf32, #tpu.memory_space<vmem>>
    tpu.wait_dma2 semaphore(%arg8 : memref<!tpu.dma_semaphore, #tpu.memory_space<semaphore_mem>>) src(%dma_wait3A_108 : memref<32x512xf32, #tpu.memory_space<vmem>>) dst(%dma_wait3A_105 : memref<32x512xf32, #tpu.memory_space<hbm>>)
    %dma_wait3A_109 = arith.constant 0 : i32
    %dma_wait3A_110 = arith.constant 0 : i32
    %dma_wait3A_111 = tpu.memref_slice %arg6[%dma_wait3A_109, %dma_wait3A_110] : memref<128x512xf32, #tpu.memory_space<vmem>> -> memref<32x512xf32, #tpu.memory_space<vmem>>
    %dma_wait3A_112 = arith.constant 0 : i32
    %dma_wait3A_113 = tpu.memref_slice %arg4[%mul3A_2, %dma_wait3A_112] : memref<32768x512xf32, #tpu.memory_space<hbm>> -> memref<32x512xf32, #tpu.memory_space<hbm>>
    %dma_wait3A_114 = arith.constant 0 : i32
    %dma_wait3A_115 = tpu.memref_slice %arg4[%mul3A_2, %dma_wait3A_114] : memref<32768x512xf32, #tpu.memory_space<hbm>> -> memref<32x512xf32, #tpu.memory_space<hbm>>
    %dma_wait3A_116 = arith.constant 0 : i32
    %dma_wait3A_117 = arith.constant 0 : i32
    %dma_wait3A_118 = tpu.memref_slice %arg6[%dma_wait3A_116, %dma_wait3A_117] : memref<128x512xf32, #tpu.memory_space<vmem>> -> memref<32x512xf32, #tpu.memory_space<vmem>>
    tpu.wait_dma2 semaphore(%arg8 : memref<!tpu.dma_semaphore, #tpu.memory_space<semaphore_mem>>) src(%dma_wait3A_118 : memref<32x512xf32, #tpu.memory_space<vmem>>) dst(%dma_wait3A_115 : memref<32x512xf32, #tpu.memory_space<hbm>>)
    return
  }
}

</mosaic_0001>

<sc_bundles>
// kernel: _embed.3.cloned.1.call-start
scs
__scs_entry_jumppad:
0x0: {  	(pc) =	sbr.rel $0x88, $3  }
0x1: {  	(tag) =	ssettag $0x0;
	lr =	simm.s32 $0x1  }
0x2: {  	[smem:$0x3F9F] =	sst lr;
	_ =	strace $0xD0000000  }
0x3: {  	_ = 	snop  }
0x4: {  	_ = 	snop  }
0x5: {  	_ = 	snop  }
0x6: {  	_ = 	snop  }
0x7: {  	_ = 	snop  }
__scs_overlays_trampoline_lowered:
0x8: {  	[smem:$0x3FAE] =	sst s0  }
0x9: {  	[smem:$0x3FAF] =	sst s1  }
0xa: {  	[smem:$0x3FB0] =	sst s2  }
0xb: {  	[smem:$0x3FB1] =	sst s3  }
0xc: {  	[smem:$0x3FB2] =	sst s4  }
0xd: {  	[smem:$0x3FB3] =	sst s5  }
0xe: {  	[smem:$0x3FB4] =	sst s6  }
0xf: {  	[smem:$0x3FB5] =	sst s7  }
0x10: {  	[smem:$0x3FB6] =	sst s8  }
0x11: {  	[smem:$0x3FB7] =	sst s9;
	s0 =	simm.s32 @!p0 $0x0  }
0x12: {  	s1 =	sld [smem:$0x3F9D];
	s0 =	simm.s32 @p0 $0x1  }
0x13: {  	[smem:$0x3FB8] =	sst s0;
	s0 =	simm.s32 @!p1 $0x0  }
0x14: {  	s2 =	sld [smem:$0x3F9C];
	s0 =	simm.s32 @p1 $0x1  }
0x15: {  	[smem:$0x3FB9] =	sst s0;
	s0 =	simm.s32 @!p2 $0x0  }
0x16: {  	s3 =	sld [smem:$0x3FDB];
	s0 =	simm.s32 @p2 $0x1  }
0x17: {  	s4 =	simm.s32 $0x1BF5;
	[smem:$0x3FBB] =	sst s0  }
0x18: {  	s0 =	sld [smem:$0x3F9E];
	_ =	swait.ge [sflag:s4], $0x0  }
0x19: {  	s7 =	sld [smem:$0x3F9F]  }
0x1a: {  	s8 =	sadd.s32 $0xFFFFE003, lr  }
0x1b: {  	s9 =	sadd.s32 $0xFFFFFEF7, lr;
	s5 =	simm.s32 $0xFFFFFFFF;
	p2 =	slt.u32 s8, $0xFFFFF086  }
0x1c: {  	p1 =	slt.u32 s9, $0xF7A;
	s5 =	simm.s32 @!p2 $0x0  }
0x1d: {  	s5 =	simm.s32 @p1 $0x1;
	p0 =	seq.s32 s7, s2  }
0x1e: {  	s7 =	smul.u32 @!p0 $0xF7A, s2;
	p2 =	seq.s32 @!p0 s5, $0x0  }
0x1f: {  	s9 =	smul.u32 $0xF7A, s1;
	s8 =	simm.s32 @!p0 $0x1BF5;
	p2 =	por !p2, p0  }
0x20: {  	[sflag:s8] =	ssyncset.s32 @!p0 $0xFFFFF086;
	s6 =	sadd.s32 @!p0 s3, s7;
	s7 =	simm.s32 @!p0 $0x108  }
0x21: {  	s3 =	sadd.s32 s3, s9;
	s6 =	sadd.s32 @!p0 $0x88, s6;
	s7 =	simm.s32 @p2 $0x1082  }
0x22: {  	[simem:s7], [sflag:s8] =	dma.local @!p0 [hbm:s6], $0xF7A  }
0x23: {  	s9 =	sor.u32 $0xD0000000, s2;
	s6 =	simm.s32 $0x108;
	_ =	swait.ge @!p0 [sflag:s8], $0x0  }
0x24: {  	s3 =	sadd.s32 $0x88, s3;
	s6 =	simm.s32 @!p1 $0x1082;
	[sflag:s4] =	ssyncset.s32 $0xFFFFF086  }
0x25: {  	[simem:s6], [sflag:s4] =	dma.local [hbm:s3], $0xF7A  }
0x26: {  	[smem:$0x3F9F] =	sst s1;
	(tag) =	ssettag s2;
	_ =	strace s9  }
0x27: {  	s1 =	sld [smem:$0x3FAF]  }
0x28: {  	s2 =	sld [smem:$0x3FB0]  }
0x29: {  	s4 =	sld [smem:$0x3FB2]  }
0x2a: {  	p0 =	seq.s32 s5, $0x0;
	s5 =	sld [smem:$0x3FB3]  }
0x2b: {  	s6 =	sld [smem:$0x3FB4]  }
0x2c: {  	s7 =	sld [smem:$0x3FB5]  }
0x2d: {  	s3 =	simm.s32 $0x108;
	s8 =	sld [smem:$0x3FB6]  }
0x2e: {  	s3 =	simm.s32 @!p0 $0x1082;
	s9 =	sld [smem:$0x3FB7]  }
0x2f: {  	lr =	sadd.s32 s0, s3;
	s0 =	sld [smem:$0x3FAE]  }
0x30: {  	s3 =	sld [smem:$0x3FB1]  }
0x31: {  	[smem:$0x3FBA] =	sst s10  }
0x32: {  	s10 =	sld [smem:$0x3FB8];
	_ =	sdelay $0x3  }
0x33: {  	p0 =	seq.s32 s10, $0x1;
	s10 =	sld [smem:$0x3FBA];
	_ =	sdelay $0x3  }
0x34: {  	[smem:$0x3FBA] =	sst s10  }
0x35: {  	s10 =	sld [smem:$0x3FB9];
	_ =	sdelay $0x3  }
0x36: {  	p1 =	seq.s32 s10, $0x1;
	s10 =	sld [smem:$0x3FBA];
	_ =	sdelay $0x3  }
0x37: {  	[smem:$0x3FBA] =	sst s10  }
0x38: {  	s10 =	sld [smem:$0x3FBB]  }
0x39: {  	_ = 	snop;
	(pc) =	sbr.ind lr, $3  }
0x3a: {  	_ = 	snop  }
0x3b: {  	_ = 	snop  }
0x3c: {  	p2 =	seq.s32 s10, $0x1;
	s10 =	sld [smem:$0x3FBA]  }
0x3d: {  	_ =	shalt  }
0x3e: {  	_ =	shalt  }
0x3f: {  	_ =	shalt  }
0x40: {  	_ =	shalt  }
0x41: {  	_ =	shalt  }
0x42: {  	_ =	shalt  }
0x43: {  	_ =	shalt  }
0x44: {  	_ =	shalt  }
0x45: {  	_ =	shalt  }
0x46: {  	_ =	shalt  }
0x47: {  	_ =	shalt  }
0x48: {  	_ =	shalt  }
0x49: {  	_ =	shalt  }
0x4a: {  	_ =	shalt  }
0x4b: {  	_ =	shalt  }
0x4c: {  	_ =	shalt  }
0x4d: {  	_ =	shalt  }
0x4e: {  	_ =	shalt  }
0x4f: {  	_ =	shalt  }
0x50: {  	_ =	shalt  }
0x51: {  	_ =	shalt  }
0x52: {  	_ =	shalt  }
0x53: {  	_ =	shalt  }
0x54: {  	_ =	shalt  }
0x55: {  	_ =	shalt  }
0x56: {  	_ =	shalt  }
0x57: {  	_ =	shalt  }
0x58: {  	_ =	shalt  }
0x59: {  	_ =	shalt  }
0x5a: {  	_ =	shalt  }
0x5b: {  	_ =	shalt  }
0x5c: {  	_ =	shalt  }
0x5d: {  	_ =	shalt  }
0x5e: {  	_ =	shalt  }
0x5f: {  	_ =	shalt  }
0x60: {  	_ =	shalt  }
0x61: {  	_ =	shalt  }
0x62: {  	_ =	shalt  }
0x63: {  	_ =	shalt  }
0x64: {  	_ =	shalt  }
0x65: {  	_ =	shalt  }
0x66: {  	_ =	shalt  }
0x67: {  	_ =	shalt  }
0x68: {  	_ =	shalt  }
0x69: {  	_ =	shalt  }
0x6a: {  	_ =	shalt  }
0x6b: {  	_ =	shalt  }
0x6c: {  	_ =	shalt  }
0x6d: {  	_ =	shalt  }
0x6e: {  	_ =	shalt  }
0x6f: {  	_ =	shalt  }
0x70: {  	_ =	shalt  }
0x71: {  	_ =	shalt  }
0x72: {  	_ =	shalt  }
0x73: {  	_ =	shalt  }
0x74: {  	_ =	shalt  }
0x75: {  	_ =	shalt  }
0x76: {  	_ =	shalt  }
0x77: {  	_ =	shalt  }
0x78: {  	_ =	shalt  }
0x79: {  	_ =	shalt  }
0x7a: {  	_ =	shalt  }
0x7b: {  	_ =	shalt  }
0x7c: {  	_ =	shalt  }
0x7d: {  	_ =	shalt  }
0x7e: {  	_ =	shalt  }
0x7f: {  	_ =	shalt  }
0x80: {  	_ =	shalt  }
0x81: {  	_ =	shalt  }
0x82: {  	_ =	shalt  }
0x83: {  	_ =	shalt  }
0x84: {  	_ =	shalt  }
0x85: {  	_ =	shalt  }
0x86: {  	_ =	shalt  }
0x87: {  	_ =	shalt  }
.Lfunc_end0:
.L_simem_size_0:
called_computation_lowered:
.L_overlay_start_0:
0x88: {  	s2 =	sld [smem:$0x3FD9]  }
0x89: {  	s3 =	sld [smem:$0x3FFE];
	_ =	sdelay $0x1  }
0x8a: {  	s1 =	srdreg.scid  }
0x8b: {  	s0 =	sand.u32 $0x1, s1  }
0x8c: {  	s18 =	sshll.u32 s0, $0xA;
	s2 =	sadd.s32 s3, s2  }
0x8d: {  	s2 =	sadd.s32 s2, s18  }
0x8e: {  	[smem:$0x3FC6] =	sst s2  }
0x8f: {  	_ = 	snop  }
0x90: {  	s2 =	sld [smem:$0x3FC9]  }
0x91: {  	s19 =	sld [smem:$0x3FC8]  }
0x92: {  	s4 =	sld [smem:$0x3FD0];
	(tm) =	ssettm $0x1  }
0x93: {  	s5 =	sld [smem:$0x3FFB];
	_ =	sdelay $0x3  }
0x94: {  	_ =	strace s5  }
0x95: {  	s5 =	sld [smem:$0x3FFC];
	_ =	sdelay $0x3  }
0x96: {  	_ =	strace s5  }
0x97: {  	s5 =	sld [smem:$0x3FFD];
	_ =	sdelay $0x3  }
0x98: {  	_ =	strace s5  }
0x99: {  	_ =	strace $0x8FFFFFFF  }
0x9a: {  	s20 =	sld [smem:$0x3FDB];
	_ =	sdelay $0x1  }
0x9b: {  	s6 =	simm.s32 $_scs_section_size  }
0x9c: {  	s7 =	simm.s32 $_size__tile_overlayer_lowered;
	s8 =	simm.s32 $_tile_overlayer_lowered  }
0x9d: {  	s23 =	simm.s32 $0x1BFF;
	s22 =	sshll.u32 s8, $0x1;
	s5 =	sadd.s32 s6, s20  }
0x9e: {  	s9 =	simm.s32 $0x0;
	s21 =	sshll.u32 s7, $0x1;
	s7 =	sadd.s32 s22, s5  }
0x9f: {  	[timem:s9], [sflag:s23] =	dma.local [hbm:s7], s21  }
0xa0: {  	_ =	swait.ge [sflag:s23], s21  }
0xa1: {  	s6 =	ssub.s32 $0x0, s21;
	[sflag:s23] =	ssyncset.done $0x0  }
0xa2: {  	[sflag:s23] =	ssyncadd.s32 s6;
	_ =	sdelay $0x1  }
0xa3: {  	s24 =	simm.s32 $0x1B8B  }
0xa4: {  	_ =	swait.ge [sflag:s24], $0x1  }
0xa5: {  	[sflag:s24] =	ssyncset.done $0x0  }
0xa6: {  	s25 =	simm.s32 $0x1B8E;
	[sflag:s24] =	ssyncadd.s32 $0xFFFFFFFF  }
0xa7: {  	s26 =	simm.s32 $execute0_lowered;
	[smem:$0x3FD2] =	sst s25  }
0xa8: {  	s6 =	sshll.u32 s26, $0x1;
	_ =	strace $0x80000046;
	[dreg:$0x1] =	wrdreg $0xFFFFFFFF  }
0xa9: {  	s28 =	simm.s32 $_size_execute0_lowered;
	s5 =	sadd.s32 s5, s6;
	[dreg:$0x0] =	wrdreg $0x0  }
0xaa: {  	s6 =	sshll.u32 s28, $0x1;
	[dreg:$0x2] =	wrdreg s5  }
0xab: {  	[dreg:$0x3] =	wrdreg s6  }
0xac: {  	[dreg:$0x4] =	wrdreg $0xC0  }
0xad: {  	_ =	task [dreg:s9], $0x5FFFF  }
0xae: {  	[dreg:$0x1] =	wrdreg $0xFFFFFFFF  }
0xaf: {  	[dreg:$0x0] =	wrdreg $0x60  }
0xb0: {  	[dreg:$0x2] =	wrdreg s19  }
0xb1: {  	[dreg:$0x3] =	wrdreg s2  }
0xb2: {  	[dreg:$0x4] =	wrdreg s4  }
0xb3: {  	[dreg:$0x5] =	wrdreg $0x9  }
0xb4: {  	_ =	task.clear_ibuf [dreg:s9], $0x6FFFF;
	_ =	strace $0x90000046  }
0xb5: {  	s29 =	simm.s32 $0x9;
	_ =	strace $0x80000048  }
0xb6: {  	_ =	swait.ge [sflag:s29], $0x1  }
0xb7: {  	[sflag:s29] =	ssyncadd.s32 $0xFFFFFFFF  }
0xb8: {  	_ =	strace $0x90000048  }
0xb9: {  	_ =	sfence  }
0xba: {  	s30 =	sld [smem:$0x0];
	_ =	sdelay $0x2  }
0xbb: {  	s31 =	sshll.u32 s1, $0xD;
	s1 =	sshrl.u32 s1, $0x2  }
0xbc: {  	s3 =	sand.u32 $0x4000, s31;
	s1 =	sadd.s32 s1, s30  }
0xbd: {  	s0 =	sor.u32 s3, s0;
	s1 =	sshll.u32 s1, $0x11  }
0xbe: {  	s0 =	sor.u32 s1, s0  }
0xbf: {  	s0 =	sadd.s32 $0x8F2B, s0  }
0xc0: {  	[sflag:s0] =	ssyncadd.remote.s32 $0x1  }
0xc1: {  	_ =	sfence.sel $0xFFFF  }
0xc2: {  	[dreg:$0x0] =	wrdreg $0xFFFFFFFF;
	(pc) =	sbr.abs _section_cstart, $3  }
0xc3: {  	[dreg:$0x1] =	wrdreg $0xFFFFFFFF  }
0xc4: {  	_ =	task.clear_ibuf [dreg:s9], $0x2FFFF;
	_ =	strace $0x9FFFFFFF  }
0xc5: {  	(tm) =	ssettm $0x7FFFFFFF  }
tec
execute0_lowered:
.L_overlay_start_1:
0x0: {  	(tag) =	ssettag $0x1  }
0x1: {  	s1 =	rddreg [dreg:$0x0];
	s0 =	srdreg.scid  }
0x2: {  	s6 =	stileid.u32;
	s2 =	rddreg [dreg:$0x1]  }
0x3: {  	s7 =	rddreg [dreg:$0x2];
	s9 =	simm.s32 $0x4;
	s28 =	simm.s32 $0x7C00  }
0x4: {  	s29 =	simm.s32 $0x8400;
	s30 =	simm.s32 $0x8C00;
	s31 =	simm.s32 $0x9400  }
0x5: {  	s10 =	simm.s32 $0xAC00;
	s11 =	simm.s32 $0xB400;
	s12 =	simm.s32 $0xBC00  }
0x6: {  	s13 =	simm.s32 $0x3;
	s14 =	simm.s32 $0x2;
	s15 =	simm.s32 $0x1  }
0x7: {  	s16 =	simm.s32 $0x0;
	s0 =	sand.u32 $0x1, s0;
	s3 =	sshll.u32 s6, $0x1  }
0x8: {  	s6 =	sshll.u32 s6, $0x2;
	s5 =	sor.u32 s0, s3;
	s3 =	simm.s32 $0x0  }
0x9: {  	s0 =	ssub.s32 $0x2, s0;
	s4 =	sshll.u32 s5, $0x9;
	[smem:$0x7FF] =	sst s3  }
0xa: {  	s25 =	sshrl.u32 s0, $0x1;
	s26 =	sshll.u32 s5, $0x10;
	s4 =	sor.u32 s6, s4  }
0xb: {  	_ =	strace $0x80000047;
	s0 =	ssub.s32 s0, s25;
	s6 =	sadd.s32 $0x100, s1  }
0xc: {  	v2 =	vlaneseq.u32;
	s7 =	sadd.s32 s7, s26;
	s25 =	simm.s32 $0x6C00;
	s4 =	sand.u32 $0xE30, s4  }
0xd: {  	vm0 =	vmmov $0xffff;
	v1 =	vshrl.u32 v2, $0x3;
	s26 =	simm.s32 $0x7400;
	s8 =	smax.u32 s0, $0x1;
	s4 =	sadd.s32 s2, s4  }
0xe: {  	v0 =	vand.u32 $0x7, v2;
	v2 =	vor.u32 $0x8, v2;
	v1 =	vmul.u32 $0x8, v1;
	s0 =	simm.s32 $0xA400;
	s2 =	simm.s32 $0x9C00;
	s5 =	sadd.s32 $0x40, s4  }
.LBB2_1:
0xf: {  	[tilespmem:s3], [sflag:$0x4] =	stream.linear.gather [hbm4b:s4+s3], $0x80, $0x38;
	[tilespmem:$0x10400] =	vst v63  }
0x10: {  	_ =	swait.ge [sflag:s9], $0x80  }
0x11: {  	[sflag:s9] =	ssyncset.done $0x0  }
0x12: {  	s17 =	simm.s32 $0x200;
	s18 =	simm.s32 $0x80;
	[sflag:s9] =	ssyncadd.s32 $0xFFFFFF80  }
0x13: {  	[tilespmem:s18], [sflag:$0x3] =	stream.strided.gather [hbm4b:s5+s18], $0x380, s17, s18, $0x38;
	[tilespmem:$0x10400] =	vst v63  }
0x14: {  	v3 =	vld [tilespmem:$0x0];
	_ =	sdelay $0x4  }
0x15: {  	v4 =	vshll.u32 v3, $0x2  }
0x16: {  	v3 =	vand.u32 $0x7, v3;
	v4 =	vand.u32 $0xFFFFFFE0, v4  }
0x17: {  	v3 =	vor.u32 v3, v4  }
0x18: {  	v4 =	vperm.xlane v3, v0;
	_ =	sdelay $0x1  }
0x19: {  	v4 =	vadd.s32 v1, v4;
	_ =	sdelay $0x1  }
0x1a: {  	v3 =	vperm.xlane v3, v2;
	_ =	sdelay $0x1  }
0x1b: {  	s19 =	simm.s32 $0x400;
	v3 =	vadd.s32 v1, v3  }
0x1c: {  	[tilespmem:s19], [sflag:$0x1] =	stream.indirect_vreg.gather [hbm4b:s1+s3], $0x80, v4, vm0, $0xb8;
	[tilespmem:$0x10400] =	vst v63  }
0x1d: {  	s20 =	simm.s32 $0xC00  }
0x1e: {  	[tilespmem:s20], [sflag:$0x1] =	stream.indirect_vreg.gather [hbm4b:s6+s3], $0x80, v4, vm0, $0xb8;
	[tilespmem:$0x10400] =	vst v63  }
0x1f: {  	s21 =	simm.s32 $0x1400  }
0x20: {  	[tilespmem:s21], [sflag:$0x1] =	stream.indirect_vreg.gather [hbm4b:s1+s3], $0x80, v3, vm0, $0xb8;
	[tilespmem:$0x10400] =	vst v63  }
0x21: {  	s22 =	simm.s32 $0x1C00  }
0x22: {  	[tilespmem:s22], [sflag:$0x1] =	stream.indirect_vreg.gather [hbm4b:s6+s3], $0x80, v3, vm0, $0xb8;
	[tilespmem:$0x10400] =	vst v63  }
0x23: {  	v3 =	vld [tilespmem:$0x10];
	_ =	sdelay $0x4  }
0x24: {  	v59 =	vshll.u32 v3, $0x2  }
0x25: {  	v3 =	vand.u32 $0x7, v3;
	v4 =	vand.u32 $0xFFFFFFE0, v59  }
0x26: {  	v3 =	vor.u32 v3, v4  }
0x27: {  	v4 =	vperm.xlane v3, v0;
	_ =	sdelay $0x1  }
0x28: {  	v4 =	vadd.s32 v1, v4;
	_ =	sdelay $0x1  }
0x29: {  	v3 =	vperm.xlane v3, v2;
	_ =	sdelay $0x1  }
0x2a: {  	s23 =	simm.s32 $0x2400;
	v3 =	vadd.s32 v1, v3  }
0x2b: {  	[tilespmem:s23], [sflag:$0x1] =	stream.indirect_vreg.gather [hbm4b:s1+s3], $0x80, v4, vm0, $0xb8;
	[tilespmem:$0x10400] =	vst v63  }
0x2c: {  	s24 =	simm.s32 $0x2C00  }
0x2d: {  	[tilespmem:s24], [sflag:$0x1] =	stream.indirect_vreg.gather [hbm4b:s6+s3], $0x80, v4, vm0, $0xb8;
	[tilespmem:$0x10400] =	vst v63  }
0x2e: {  	s18 =	simm.s32 $0x3400  }
0x2f: {  	[tilespmem:s18], [sflag:$0x1] =	stream.indirect_vreg.gather [hbm4b:s1+s3], $0x80, v3, vm0, $0xb8;
	[tilespmem:$0x10400] =	vst v63  }
0x30: {  	s19 =	simm.s32 $0x3C00  }
0x31: {  	[tilespmem:s19], [sflag:$0x1] =	stream.indirect_vreg.gather [hbm4b:s6+s3], $0x80, v3, vm0, $0xb8;
	[tilespmem:$0x10400] =	vst v63  }
0x32: {  	v3 =	vld [tilespmem:$0x20];
	_ =	sdelay $0x4  }
0x33: {  	v60 =	vshll.u32 v3, $0x2  }
0x34: {  	v3 =	vand.u32 $0x7, v3;
	v4 =	vand.u32 $0xFFFFFFE0, v60  }
0x35: {  	v3 =	vor.u32 v3, v4  }
0x36: {  	v4 =	vperm.xlane v3, v0;
	_ =	sdelay $0x1  }
0x37: {  	v4 =	vadd.s32 v1, v4;
	_ =	sdelay $0x1  }
0x38: {  	v3 =	vperm.xlane v3, v2;
	_ =	sdelay $0x1  }
0x39: {  	s20 =	simm.s32 $0x4400;
	v3 =	vadd.s32 v1, v3  }
0x3a: {  	[tilespmem:s20], [sflag:$0x1] =	stream.indirect_vreg.gather [hbm4b:s1+s3], $0x80, v4, vm0, $0xb8;
	[tilespmem:$0x10400] =	vst v63  }
0x3b: {  	s21 =	simm.s32 $0x4C00  }
0x3c: {  	[tilespmem:s21], [sflag:$0x1] =	stream.indirect_vreg.gather [hbm4b:s6+s3], $0x80, v4, vm0, $0xb8;
	[tilespmem:$0x10400] =	vst v63  }
0x3d: {  	s22 =	simm.s32 $0x5400  }
0x3e: {  	[tilespmem:s22], [sflag:$0x1] =	stream.indirect_vreg.gather [hbm4b:s1+s3], $0x80, v3, vm0, $0xb8;
	[tilespmem:$0x10400] =	vst v63  }
0x3f: {  	s23 =	simm.s32 $0x5C00  }
0x40: {  	[tilespmem:s23], [sflag:$0x1] =	stream.indirect_vreg.gather [hbm4b:s6+s3], $0x80, v3, vm0, $0xb8;
	[tilespmem:$0x10400] =	vst v63  }
0x41: {  	v3 =	vld [tilespmem:$0x30];
	_ =	sdelay $0x4  }
0x42: {  	v61 =	vshll.u32 v3, $0x2  }
0x43: {  	v3 =	vand.u32 $0x7, v3;
	v4 =	vand.u32 $0xFFFFFFE0, v61  }
0x44: {  	v3 =	vor.u32 v3, v4  }
0x45: {  	v4 =	vperm.xlane v3, v0;
	_ =	sdelay $0x1  }
0x46: {  	v4 =	vadd.s32 v1, v4;
	_ =	sdelay $0x1  }
0x47: {  	v3 =	vperm.xlane v3, v2;
	_ =	sdelay $0x1  }
0x48: {  	s24 =	simm.s32 $0x6400;
	v3 =	vadd.s32 v1, v3  }
0x49: {  	[tilespmem:s24], [sflag:$0x1] =	stream.indirect_vreg.gather [hbm4b:s1+s3], $0x80, v4, vm0, $0xb8;
	[tilespmem:$0x10400] =	vst v63  }
0x4a: {  	_ = 	snop  }
0x4b: {  	[tilespmem:s25], [sflag:$0x1] =	stream.indirect_vreg.gather [hbm4b:s6+s3], $0x80, v4, vm0, $0xb8;
	[tilespmem:$0x10400] =	vst v63  }
0x4c: {  	_ = 	snop  }
0x4d: {  	[tilespmem:s26], [sflag:$0x1] =	stream.indirect_vreg.gather [hbm4b:s1+s3], $0x80, v3, vm0, $0xb8;
	[tilespmem:$0x10400] =	vst v63  }
0x4e: {  	_ = 	snop  }
0x4f: {  	[tilespmem:s28], [sflag:$0x1] =	stream.indirect_vreg.gather [hbm4b:s6+s3], $0x80, v3, vm0, $0xb8;
	[tilespmem:$0x10400] =	vst v63  }
0x50: {  	v3 =	vld [tilespmem:$0x40];
	_ =	sdelay $0x4  }
0x51: {  	v62 =	vshll.u32 v3, $0x2  }
0x52: {  	v3 =	vand.u32 $0x7, v3;
	v4 =	vand.u32 $0xFFFFFFE0, v62  }
0x53: {  	v3 =	vor.u32 v3, v4  }
0x54: {  	v4 =	vperm.xlane v3, v0;
	_ =	sdelay $0x1  }
0x55: {  	v4 =	vadd.s32 v1, v4;
	_ =	sdelay $0x1  }
0x56: {  	v3 =	vperm.xlane v3, v2;
	_ =	sdelay $0x1  }
0x57: {  	v3 =	vadd.s32 v1, v3  }
0x58: {  	[tilespmem:s29], [sflag:$0x1] =	stream.indirect_vreg.gather [hbm4b:s1+s3], $0x80, v4, vm0, $0xb8;
	[tilespmem:$0x10400] =	vst v63  }
0x59: {  	_ = 	snop  }
0x5a: {  	[tilespmem:s30], [sflag:$0x1] =	stream.indirect_vreg.gather [hbm4b:s6+s3], $0x80, v4, vm0, $0xb8;
	[tilespmem:$0x10400] =	vst v63  }
0x5b: {  	_ = 	snop  }
0x5c: {  	[tilespmem:s31], [sflag:$0x1] =	stream.indirect_vreg.gather [hbm4b:s1+s3], $0x80, v3, vm0, $0xb8;
	[tilespmem:$0x10400] =	vst v63  }
0x5d: {  	_ = 	snop  }
0x5e: {  	[tilespmem:s2], [sflag:$0x1] =	stream.indirect_vreg.gather [hbm4b:s6+s3], $0x80, v3, vm0, $0xb8;
	[tilespmem:$0x10400] =	vst v63  }
0x5f: {  	v3 =	vld [tilespmem:$0x50];
	_ =	sdelay $0x4  }
0x60: {  	v63 =	vshll.u32 v3, $0x2  }
0x61: {  	v3 =	vand.u32 $0x7, v3;
	v4 =	vand.u32 $0xFFFFFFE0, v63  }
0x62: {  	v3 =	vor.u32 v3, v4  }
0x63: {  	v4 =	vperm.xlane v3, v0;
	_ =	sdelay $0x1  }
0x64: {  	v4 =	vadd.s32 v1, v4;
	_ =	sdelay $0x1  }
0x65: {  	v3 =	vperm.xlane v3, v2;
	_ =	sdelay $0x1  }
0x66: {  	v3 =	vadd.s32 v1, v3  }
0x67: {  	[tilespmem:s0], [sflag:$0x1] =	stream.indirect_vreg.gather [hbm4b:s1+s3], $0x80, v4, vm0, $0xb8;
	[tilespmem:$0x10400] =	vst v63  }
0x68: {  	_ = 	snop  }
0x69: {  	[tilespmem:s10], [sflag:$0x1] =	stream.indirect_vreg.gather [hbm4b:s6+s3], $0x80, v4, vm0, $0xb8;
	[tilespmem:$0x10400] =	vst v63  }
0x6a: {  	_ = 	snop  }
0x6b: {  	[tilespmem:s11], [sflag:$0x1] =	stream.indirect_vreg.gather [hbm4b:s1+s3], $0x80, v3, vm0, $0xb8;
	[tilespmem:$0x10400] =	vst v63  }
0x6c: {  	_ = 	snop  }
0x6d: {  	[tilespmem:s12], [sflag:$0x1] =	stream.indirect_vreg.gather [hbm4b:s6+s3], $0x80, v3, vm0, $0xb8;
	[tilespmem:$0x10400] =	vst v63  }
0x6e: {  	_ =	swait.ge [sflag:s13], $0x380  }
0x6f: {  	[sflag:s13] =	ssyncset.done $0x0  }
0x70: {  	s17 =	simm.s32 $0x0;
	s18 =	simm.s32 $0x0;
	[sflag:s13] =	ssyncadd.s32 $0xFFFFFC80  }
.LBB2_2:
0x71: {  	s19 =	sadd.s32 $0xFFFFFFFF, s18  }
0x72: {  	p0 =	sgt.u32 s19, $0x1B  }
.Ltmp0:
0x73: {  	_ = 	snop;
	(pc) =	sbr.rel @p0 .LBB2_4-.Ltmp0, $1  }
0x74: {  	_ =	sdelay $0x3  }
.Ltmp1:
0x75: {  	(pc) =	sbr.rel .LBB2_5-.Ltmp1, $4  }
0x76: {  	_ = 	snop  }
0x77: {  	_ =	swait.ge [sflag:s14], $0x4000  }
0x78: {  	[sflag:s14] =	ssyncset.done $0x0  }
0x79: {  	[sflag:s14] =	ssyncadd.s32 $0xFFFFC000  }
.LBB2_4:
0x7a: {  	p0 =	sgt.u32 s18, $0x1C  }
.Ltmp2:
0x7b: {  	_ = 	snop;
	(pc) =	sbr.rel @p0 .LBB2_6-.Ltmp2, $1  }
0x7c: {  	_ =	sdelay $0x3  }
.LBB2_5:
0x7d: {  	s19 =	sadd.s32 $0x3, s18  }
0x7e: {  	s20 =	sshll.u32 s19, $0x5  }
0x7f: {  	s20 =	sand.u32 $0x3FFFFFE0, s20  }
0x80: {  	v3 =	vld [tilespmem:s20+$0x0];
	_ =	sdelay $0x4  }
0x81: {  	v4 =	vshll.u32 v3, $0x2  }
0x82: {  	v3 =	vand.u32 $0x7, v3;
	v4 =	vand.u32 $0xFFFFFFE0, v4  }
0x83: {  	v3 =	vor.u32 v3, v4  }
0x84: {  	v4 =	vperm.xlane v3, v0;
	_ =	sdelay $0x1  }
0x85: {  	v4 =	vadd.s32 v1, v4;
	_ =	sdelay $0x1  }
0x86: {  	s19 =	sshll.u32 s19, $0xE;
	v3 =	vperm.xlane v3, v2  }
0x87: {  	s19 =	sand.u32 $0xC000, s19  }
0x88: {  	s21 =	sor.u32 $0x400, s19;
	v3 =	vadd.s32 v1, v3  }
0x89: {  	[tilespmem:s21], [sflag:$0x1] =	stream.indirect_vreg.gather [hbm4b:s1+s3], $0x80, v4, vm0, $0xb8;
	[tilespmem:$0x10400] =	vst v63  }
0x8a: {  	s22 =	sor.u32 $0xC00, s19  }
0x8b: {  	[tilespmem:s22], [sflag:$0x1] =	stream.indirect_vreg.gather [hbm4b:s6+s3], $0x80, v4, vm0, $0xb8;
	[tilespmem:$0x10400] =	vst v63  }
0x8c: {  	s23 =	sor.u32 $0x1400, s19  }
0x8d: {  	[tilespmem:s23], [sflag:$0x1] =	stream.indirect_vreg.gather [hbm4b:s1+s3], $0x80, v3, vm0, $0xb8;
	[tilespmem:$0x10400] =	vst v63  }
0x8e: {  	s24 =	sor.u32 $0x1C00, s19  }
0x8f: {  	[tilespmem:s24], [sflag:$0x1] =	stream.indirect_vreg.gather [hbm4b:s6+s3], $0x80, v3, vm0, $0xb8;
	[tilespmem:$0x10400] =	vst v63  }
0x90: {  	v3 =	vld [tilespmem:s20+$0x10];
	_ =	sdelay $0x4  }
0x91: {  	v63 =	vshll.u32 v3, $0x2  }
0x92: {  	v3 =	vand.u32 $0x7, v3;
	v4 =	vand.u32 $0xFFFFFFE0, v63  }
0x93: {  	v3 =	vor.u32 v3, v4  }
0x94: {  	v4 =	vperm.xlane v3, v0;
	_ =	sdelay $0x1  }
0x95: {  	v4 =	vadd.s32 v1, v4;
	_ =	sdelay $0x1  }
0x96: {  	v3 =	vperm.xlane v3, v2;
	_ =	sdelay $0x1  }
0x97: {  	s22 =	sor.u32 $0x2400, s19;
	v3 =	vadd.s32 v1, v3  }
0x98: {  	[tilespmem:s22], [sflag:$0x1] =	stream.indirect_vreg.gather [hbm4b:s1+s3], $0x80, v4, vm0, $0xb8;
	[tilespmem:$0x10400] =	vst v63  }
0x99: {  	s23 =	sor.u32 $0x2C00, s19  }
0x9a: {  	[tilespmem:s23], [sflag:$0x1] =	stream.indirect_vreg.gather [hbm4b:s6+s3], $0x80, v4, vm0, $0xb8;
	[tilespmem:$0x10400] =	vst v63  }
0x9b: {  	s24 =	sor.u32 $0x3400, s19  }
0x9c: {  	[tilespmem:s24], [sflag:$0x1] =	stream.indirect_vreg.gather [hbm4b:s1+s3], $0x80, v3, vm0, $0xb8;
	[tilespmem:$0x10400] =	vst v63  }
0x9d: {  	s19 =	sor.u32 $0x3C00, s19  }
0x9e: {  	[tilespmem:s19], [sflag:$0x1] =	stream.indirect_vreg.gather [hbm4b:s6+s3], $0x80, v3, vm0, $0xb8;
	[tilespmem:$0x10400] =	vst v63  }
.LBB2_6:
0x9f: {  	_ =	swait.ge [sflag:s15], $0x4000;
	s19 =	simm.s32 $0x0  }
0xa0: {  	s20 =	sand.u32 $0xF000, s17;
	[sflag:s15] =	ssyncset.done $0x0;
	s19 =	sand.u32 $0x380, s19  }
0xa1: {  	[sflag:s15] =	ssyncadd.s32 $0xFFFFC000;
	s19 =	sor.u32 s19, s20  }
0xa2: {  	v3 =	vld [tilespmem:s19+$0x870]  }
0xa3: {  	v4 =	vld [tilespmem:s19+$0xC00]  }
0xa4: {  	v5 =	vld [tilespmem:s19+$0xC10]  }
0xa5: {  	v6 =	vld [tilespmem:s19+$0x860]  }
0xa6: {  	v7 =	vld [tilespmem:s19+$0x850]  }
0xa7: {  	v8 =	vld [tilespmem:s19+$0xC20]  }
0xa8: {  	v9 =	vld [tilespmem:s19+$0x840]  }
0xa9: {  	v10 =	vld [tilespmem:s19+$0x1070]  }
0xaa: {  	v11 =	vld [tilespmem:s19+$0x1010]  }
0xab: {  	v12 =	vld [tilespmem:s19+$0x1050]  }
0xac: {  	v16 =	vld [tilespmem:s19+$0xC30]  }
0xad: {  	v17 =	vld [tilespmem:s19+$0xC40]  }
0xae: {  	v14 =	vld [tilespmem:s19+$0x1000]  }
0xaf: {  	v13 =	vld [tilespmem:s19+$0x1040]  }
0xb0: {  	v15 =	vld [tilespmem:s19+$0x830];
	v11 =	vmul.f32 $2.262741660e+01, v11  }
0xb1: {  	v18 =	vld [tilespmem:s19+$0x820];
	v10 =	vmul.f32 $2.262741660e+01, v10  }
0xb2: {  	v19 =	vld [tilespmem:s19+$0x810];
	v12 =	vmul.f32 $2.262741660e+01, v12;
	[tilespmem:s19+$0x1010] =	vst v11  }
0xb3: {  	v20 =	vld [tilespmem:s19+$0x460];
	v14 =	vmul.f32 $2.262741660e+01, v14;
	[tilespmem:s19+$0x1070] =	vst v10  }
0xb4: {  	v24 =	vld [tilespmem:s19+$0x400];
	v11 =	vmul.f32 $2.262741660e+01, v13;
	[tilespmem:s19+$0x1050] =	vst v12  }
0xb5: {  	v15 =	vmul.f32 $2.262741660e+01, v15;
	v10 =	vld [tilespmem:s19+$0x1020];
	[tilespmem:s19+$0x1000] =	vst v14  }
0xb6: {  	v13 =	vld [tilespmem:s19+$0x800];
	[tilespmem:s19+$0x1040] =	vst v11;
	v11 =	vmul.f32 $2.262741660e+01, v18  }
0xb7: {  	v12 =	vld [tilespmem:s19+$0x470];
	[tilespmem:s19+$0x830] =	vst v15;
	v18 =	vmul.f32 $2.262741660e+01, v9;
	v9 =	vmul.f32 $2.262741660e+01, v19  }
0xb8: {  	v22 =	vld [tilespmem:s19+$0xC60];
	v21 =	vmul.f32 $2.262741660e+01, v7;
	v20 =	vmul.f32 $2.262741660e+01, v20;
	[tilespmem:s19+$0x820] =	vst v11  }
0xb9: {  	v19 =	vld [tilespmem:s19+$0xC50];
	v11 =	vmul.f32 $2.262741660e+01, v6;
	[tilespmem:s19+$0x810] =	vst v9;
	v9 =	vmul.f32 $2.262741660e+01, v8  }
0xba: {  	v23 =	vld [tilespmem:s19+$0xC70];
	[tilespmem:s19+$0x460] =	vst v20;
	v8 =	vmul.f32 $2.262741660e+01, v24;
	v7 =	vmul.f32 $2.262741660e+01, v10  }
0xbb: {  	v15 =	vld [tilespmem:s19+$0x440];
	[tilespmem:s19+$0x850] =	vst v21;
	v6 =	vmul.f32 $2.262741660e+01, v13;
	v10 =	vmul.f32 $2.262741660e+01, v3  }
0xbc: {  	v14 =	vld [tilespmem:s19+$0x410];
	[tilespmem:s19+$0x840] =	vst v18;
	v3 =	vmul.f32 $2.262741660e+01, v12;
	v12 =	vmul.f32 $2.262741660e+01, v4  }
0xbd: {  	v18 =	vld [tilespmem:s19+$0x1030];
	v13 =	vmul.f32 $2.262741660e+01, v5;
	v4 =	vmul.f32 $2.262741660e+01, v16;
	[tilespmem:s19+$0x1020] =	vst v7  }
0xbe: {  	v16 =	vld [tilespmem:s19+$0x420];
	[tilespmem:s19+$0x800] =	vst v6;
	v7 =	vmul.f32 $2.262741660e+01, v17;
	v5 =	vmul.f32 $2.262741660e+01, v19  }
0xbf: {  	s21 =	simm.s32 $0x80;
	s20 =	sadd.s32 $0x200, s17;
	[tilespmem:s19+$0x470] =	vst v3;
	v6 =	vmul.f32 $2.262741660e+01, v22;
	v17 =	vld [tilespmem:s19+$0x430];
	v3 =	vmul.f32 $2.262741660e+01, v23  }
.LBB2_7:
0xc0: {  	s22 =	smov.u32 s21  }
0xc1: {  	s23 =	sand.u32 $0xF000, s20;
	s24 =	sand.u32 $0x380, s21;
	v14 =	vmul.f32 $2.262741660e+01, v14;
	[tilespmem:s19+$0x860] =	vst v11;
	v11 =	vld [tilespmem:s19+$0x1060];
	s22 =	sadd.s32 $0x80, s21  }
0xc2: {  	p0 =	sne.s32 s21, $0xF80;
	s23 =	sor.u32 s24, s23;
	v15 =	vmul.f32 $2.262741660e+01, v15;
	v19 =	vld [tilespmem:s19+$0x450];
	[tilespmem:s19+$0x870] =	vst v10  }
0xc3: {  	v16 =	vmul.f32 $2.262741660e+01, v16;
	v10 =	vld [tilespmem:s23+$0x870];
	[tilespmem:s19+$0xC00] =	vst v12  }
0xc4: {  	v17 =	vmul.f32 $2.262741660e+01, v17;
	v12 =	vld [tilespmem:s23+$0xC00];
	[tilespmem:s19+$0xC10] =	vst v13  }
0xc5: {  	v13 =	vld [tilespmem:s23+$0xC10];
	[tilespmem:s19+$0x420] =	vst v16;
	v16 =	vmul.f32 $2.262741660e+01, v18  }
0xc6: {  	v11 =	vmul.f32 $2.262741660e+01, v11;
	v18 =	vld [tilespmem:s23+$0x860];
	[tilespmem:s19+$0x430] =	vst v17  }
0xc7: {  	v17 =	vld [tilespmem:s23+$0x850];
	v19 =	vmul.f32 $2.262741660e+01, v19;
	[tilespmem:s19+$0xC20] =	vst v9  }
0xc8: {  	v9 =	vld [tilespmem:s23+$0xC20];
	[tilespmem:s19+$0x1030] =	vst v16  }
0xc9: {  	v16 =	vld [tilespmem:s23+$0x840];
	[tilespmem:s19+$0x450] =	vst v19  }
0xca: {  	v19 =	vld [tilespmem:s23+$0x1070];
	[tilespmem:s19+$0x440] =	vst v15  }
0xcb: {  	v15 =	vld [tilespmem:s23+$0x1010];
	[tilespmem:s19+$0x1060] =	vst v11  }
0xcc: {  	v11 =	vld [tilespmem:s23+$0x1050];
	[tilespmem:s19+$0xC30] =	vst v4  }
0xcd: {  	v4 =	vld [tilespmem:s23+$0xC30];
	[tilespmem:s19+$0xC40] =	vst v7  }
0xce: {  	v7 =	vld [tilespmem:s23+$0xC40];
	[tilespmem:s19+$0x410] =	vst v14  }
0xcf: {  	v14 =	vld [tilespmem:s23+$0x1040];
	[tilespmem:s19+$0xC50] =	vst v5  }
0xd0: {  	v19 =	vmul.f32 $2.262741660e+01, v19;
	v5 =	vld [tilespmem:s23+$0x1000];
	[tilespmem:s19+$0xC60] =	vst v6  }
0xd1: {  	v6 =	vld [tilespmem:s23+$0x830];
	[tilespmem:s19+$0x400] =	vst v8  }
0xd2: {  	v15 =	vmul.f32 $2.262741660e+01, v15;
	v8 =	vld [tilespmem:s23+$0x820];
	[tilespmem:s19+$0xC70] =	vst v3;
	s19 =	smov.u32 s23  }
0xd3: {  	v11 =	vmul.f32 $2.262741660e+01, v11;
	v3 =	vld [tilespmem:s19+$0x810];
	[tilespmem:s19+$0x1070] =	vst v19  }
0xd4: {  	v19 =	vmul.f32 $2.262741660e+01, v16;
	[tilespmem:s19+$0x1010] =	vst v15;
	v15 =	vld [tilespmem:s19+$0x1020];
	v14 =	vmul.f32 $2.262741660e+01, v14  }
0xd5: {  	v20 =	vmul.f32 $2.262741660e+01, v17;
	v16 =	vld [tilespmem:s19+$0x800];
	v5 =	vmul.f32 $2.262741660e+01, v5;
	[tilespmem:s19+$0x1050] =	vst v11  }
0xd6: {  	v11 =	vmul.f32 $2.262741660e+01, v18;
	v17 =	vld [tilespmem:s19+$0x470];
	v6 =	vmul.f32 $2.262741660e+01, v6;
	[tilespmem:s19+$0x1040] =	vst v14  }
0xd7: {  	v10 =	vmul.f32 $2.262741660e+01, v10;
	v18 =	vld [tilespmem:s19+$0x460];
	v8 =	vmul.f32 $2.262741660e+01, v8;
	[tilespmem:s19+$0x1000] =	vst v5  }
0xd8: {  	v12 =	vmul.f32 $2.262741660e+01, v12;
	v3 =	vmul.f32 $2.262741660e+01, v3;
	[tilespmem:s19+$0x830] =	vst v6;
	v5 =	vld [tilespmem:s19+$0xC50]  }
0xd9: {  	v13 =	vmul.f32 $2.262741660e+01, v13;
	[tilespmem:s19+$0x820] =	vst v8;
	v6 =	vld [tilespmem:s19+$0xC60];
	v8 =	vmul.f32 $2.262741660e+01, v15  }
0xda: {  	v9 =	vmul.f32 $2.262741660e+01, v9;
	v15 =	vmul.f32 $2.262741660e+01, v16;
	[tilespmem:s19+$0x810] =	vst v3;
	v3 =	vld [tilespmem:s19+$0xC70]  }
0xdb: {  	v4 =	vmul.f32 $2.262741660e+01, v4;
	v21 =	vld [tilespmem:s19+$0x400];
	v16 =	vmul.f32 $2.262741660e+01, v17;
	[tilespmem:s19+$0x1020] =	vst v8  }
.Ltmp3:
0xdc: {  	v7 =	vmul.f32 $2.262741660e+01, v7;
	v14 =	vld [tilespmem:s19+$0x410];
	v8 =	vmul.f32 $2.262741660e+01, v18;
	[tilespmem:s19+$0x800] =	vst v15;
	(pc) =	sbr.rel @p0 .LBB2_7-.Ltmp3, $4  }
0xdd: {  	v15 =	vld [tilespmem:s19+$0x440];
	[tilespmem:s19+$0x470] =	vst v16;
	v5 =	vmul.f32 $2.262741660e+01, v5  }
0xde: {  	v16 =	vld [tilespmem:s19+$0x420];
	[tilespmem:s19+$0x460] =	vst v8;
	v6 =	vmul.f32 $2.262741660e+01, v6  }
0xdf: {  	v17 =	vld [tilespmem:s19+$0x430];
	[tilespmem:s19+$0x840] =	vst v19;
	v3 =	vmul.f32 $2.262741660e+01, v3  }
0xe0: {  	s20 =	sadd.s32 $0x200, s20;
	s21 =	smov.u32 s22;
	v8 =	vmul.f32 $2.262741660e+01, v21;
	[tilespmem:s19+$0x850] =	vst v20;
	v18 =	vld [tilespmem:s19+$0x1030]  }
0xe1: {  	[tilespmem:s19+$0x860] =	vst v11  }
0xe2: {  	[tilespmem:s19+$0x870] =	vst v10  }
0xe3: {  	[tilespmem:s19+$0xC00] =	vst v12  }
0xe4: {  	[tilespmem:s19+$0xC10] =	vst v13  }
0xe5: {  	[tilespmem:s19+$0xC20] =	vst v9  }
0xe6: {  	[tilespmem:s19+$0xC30] =	vst v4  }
0xe7: {  	[tilespmem:s19+$0xC40] =	vst v7  }
0xe8: {  	[tilespmem:s19+$0xC50] =	vst v5  }
0xe9: {  	[tilespmem:s19+$0xC60] =	vst v6  }
0xea: {  	v56 =	vld [tilespmem:s19+$0x450];
	v63 =	vmul.f32 $2.262741660e+01, v14;
	[tilespmem:s19+$0xC70] =	vst v3  }
0xeb: {  	v58 =	vld [tilespmem:s19+$0x1060];
	v61 =	vmul.f32 $2.262741660e+01, v15;
	[tilespmem:s19+$0x400] =	vst v8  }
0xec: {  	v57 =	vmul.f32 $2.262741660e+01, v16;
	[tilespmem:s19+$0x410] =	vst v63  }
0xed: {  	s20 =	sshll.u32 s18, $0xE;
	s21 =	sshll.u32 s18, $0xB;
	s18 =	sadd.s32 $0x1, s18;
	v59 =	vmul.f32 $2.262741660e+01, v17;
	[tilespmem:s19+$0x440] =	vst v61  }
0xee: {  	p0 =	sne.s32 s18, $0x20;
	[tilespmem:s19+$0x420] =	vst v57;
	v60 =	vmul.f32 $2.262741660e+01, v18  }
.Ltmp4:
0xef: {  	[tilespmem:s19+$0x430] =	vst v59;
	v11 =	vmul.f32 $2.262741660e+01, v56;
	(pc) =	sbr.rel @p0 .LBB2_2-.Ltmp4, $4  }
0xf0: {  	v62 =	vmul.f32 $2.262741660e+01, v58;
	[tilespmem:s19+$0x1030] =	vst v60  }
0xf1: {  	s20 =	sand.u32 $0xC000, s20;
	[tilespmem:s19+$0x450] =	vst v11  }
0xf2: {  	s17 =	sadd.s32 $0x4000, s17;
	s24 =	sadd.s32 s21, s7;
	s23 =	sor.u32 $0x400, s20;
	[tilespmem:s19+$0x1060] =	vst v62  }
0xf3: {  	[hbm4b:s24+s3] =	stream.linear.scatter [tilespmem:s23], [sflag:$0x2], $0x4000, $0x38;
	[tilespmem:$0x10400] =	vst v63  }
0xf4: {  	_ =	swait.ge [sflag:s14], $0x4000  }
0xf5: {  	[sflag:s14] =	ssyncset.done $0x0  }
0xf6: {  	[sflag:s14] =	ssyncadd.s32 $0xFFFFC000  }
0xf7: {  	_ =	swait.ge [sflag:s14], $0x4000  }
0xf8: {  	[sflag:s14] =	ssyncset.done $0x0  }
0xf9: {  	s16 =	sadd.s32 $0x1, s16;
	[sflag:s14] =	ssyncadd.s32 $0xFFFFC000  }
0xfa: {  	p0 =	sne.s32 s16, s8;
	_ =	swait.ge [sflag:s14], $0x4000  }
.Ltmp5:
0xfb: {  	[sflag:s14] =	ssyncset.done $0x0;
	(pc) =	sbr.rel @p0 .LBB2_1-.Ltmp5, $4  }
0xfc: {  	[sflag:s14] =	ssyncadd.s32 $0xFFFFC000  }
0xfd: {  	_ =	swait.ge [sflag:s14], $0x4000  }
0xfe: {  	[sflag:s14] =	ssyncset.done $0x0  }
0xff: {  	[sflag:s14] =	ssyncadd.s32 $0xFFFFC000  }
0x100: {  	_ =	sfence.sel $0x180000  }
0x101: {  	[bflag:$0x0] =	sbarrier.arrive $0xFFFF  }
0x102: {  	_ =	strace $0x90000047  }
0x103: {  	s0 =	stileid.u32;
	[bflag:$0x2] =	sbarrier.arrive $0xFFFF  }
0x104: {  	p0 =	sne.s32 s0, $0x0;
	s0 =	rddreg [dreg:$0x3]  }
0x105: {  	s0 =	sadd.s32 @!p0 $0x100000, s0  }
0x106: {  	[sflag:s0] =	ssyncadd.tile.s32 @!p0 $0x1;
	_ =	shalt  }
.Lfunc_end2:
_tile_overlayer_lowered:
.L_overlay_start_2:
0x107: {  	(tag) =	ssettag $0x2  }
0x108: {  	s0 =	rddreg [dreg:$0x0];
	s2 =	stileid.u32  }
0x109: {  	s1 =	rddreg [dreg:$0x1];
	p0 =	sne.s32 s2, $0x0  }
0x10a: {  	s3 =	rddreg [dreg:$0x2];
	[bflag:$0x3] =	sbarrier.arrive $0xFFFF;
	s2 =	simm.s32 @!p0 $0x1C04  }
0x10b: {  	[timem:s3], [sflag:s2] =	dma.local @!p0 [hbm:s0], s1  }
0x10c: {  	s0 =	simm.s32 @!p0 $0x4  }
0x10d: {  	_ =	swait.ge @!p0 [sflag:s0], s1  }
0x10e: {  	s1 =	ssub.s32 @!p0 $0x0, s1;
	[sflag:s0] =	ssyncset.done @!p0 $0x0  }
0x10f: {  	[sflag:s0] =	ssyncadd.s32 @!p0 s1  }
0x110: {  	[bflag:$0x3] =	sbarrier.arrive $0xFFFF  }
0x111: {  	_ =	shalt  }

</sc_bundles>
